<compile_context>
chip_gen: v7x
topology: tpu7x:2x2x1
jax: 0.10.2.dev20260603
libtpu: 0.0.44.dev20260713+nightly
codegen_flags: <defaults>
</compile_context>

<pallas_src>
import functools

import jax
import jax.numpy as jnp
from jax import lax
from jax.experimental import pallas as pl
from jax.experimental.pallas import tpu as pltpu
from jax.experimental.pallas import tpu_sc as plsc

N_NODES = 10000
D = 128
NC = 2
NS = 16
NW = NC * NS
CHUNK = 128
NP = 10240
ROWS_PER_TILE = NP // NS
DEG_W = 16
SEG = 16

_ROW_CHUNKS = [(k * CHUNK, CHUNK) for k in range(ROWS_PER_TILE // CHUNK)]
if ROWS_PER_TILE % CHUNK:
    _ROW_CHUNKS.append((ROWS_PER_TILE - ROWS_PER_TILE % CHUNK, ROWS_PER_TILE % CHUNK))

_MESH = plsc.VectorSubcoreMesh(core_axis_name="c", subcore_axis_name="s")


def _sc_deg(dst_pad, n_chunks):

    @functools.partial(
        pl.kernel,
        out_type=jax.ShapeDtypeStruct((NC, NP, DEG_W), jnp.float32),
        mesh=_MESH,
        scratch_types=[
            pltpu.VMEM((CHUNK,), jnp.int32),
            pltpu.VMEM((CHUNK, DEG_W), jnp.float32),
            pltpu.VMEM((CHUNK, DEG_W), jnp.float32),
            pltpu.VMEM_SHARED((NP, DEG_W), jnp.float32),
        ],
    )
    def deg_kernel(dst_hbm, out_hbm, idx_v, ones_v, zeros_v, hist_sh):
        cid = lax.axis_index("c")
        sid = lax.axis_index("s")
        wid = cid * NS + sid

        def fill(r, _):
            ones_v[r, :] = jnp.full((DEG_W,), 1.0, jnp.float32)
            zeros_v[r, :] = jnp.zeros((DEG_W,), jnp.float32)
            return 0

        lax.fori_loop(0, CHUNK, fill, 0)
        for off, sz in _ROW_CHUNKS:
            pltpu.sync_copy(zeros_v.at[pl.ds(0, sz)],
                            hist_sh.at[pl.ds(sid * ROWS_PER_TILE + off, sz)])
        plsc.subcore_barrier()

        base = wid * n_chunks * CHUNK

        def body(c, _):
            pltpu.sync_copy(dst_hbm.at[pl.ds(base + c * CHUNK, CHUNK)], idx_v)
            pltpu.sync_copy(ones_v, hist_sh.at[idx_v], add=True)
            return 0

        lax.fori_loop(0, n_chunks, body, 0)
        plsc.subcore_barrier()
        for off, sz in _ROW_CHUNKS:
            r0 = pl.multiple_of(sid * ROWS_PER_TILE + off, 32)
            pltpu.sync_copy(hist_sh.at[pl.ds(r0, sz)], out_hbm.at[cid, pl.ds(r0, sz)])

    return deg_kernel(dst_pad)


@functools.lru_cache(maxsize=None)
def _make_sc_agg(n_chunks):
    assert n_chunks % 2 == 0

    @functools.partial(
        pl.kernel,
        out_type=jax.ShapeDtypeStruct((NC, NP, D), jnp.float32),
        mesh=_MESH,
        scratch_types=[
            pltpu.VMEM((CHUNK,), jnp.int32),
            pltpu.VMEM((CHUNK,), jnp.int32),
            pltpu.VMEM((CHUNK, D), jnp.float32),
            pltpu.VMEM_SHARED((NP, D), jnp.float32),
            pltpu.SemaphoreType.DMA,
        ],
    )
    def agg_kernel(x_hbm, src_hbm, dst_hbm, out_hbm, siA, diA, rA, acc_sh, gA):
        cid = lax.axis_index("c")
        sid = lax.axis_index("s")
        wid = cid * NS + sid

        def fill(r, _):
            def fill_c(c, _):
                rA[r, pl.ds(c * 16, 16)] = jnp.zeros((16,), jnp.float32)
                return 0

            lax.fori_loop(0, D // 16, fill_c, 0)
            return 0

        lax.fori_loop(0, CHUNK, fill, 0)
        for off, sz in _ROW_CHUNKS:
            pltpu.sync_copy(rA.at[pl.ds(0, sz)],
                            acc_sh.at[pl.ds(sid * ROWS_PER_TILE + off, sz)])
        plsc.subcore_barrier()

        base = wid * n_chunks * CHUNK

        def body(k, _):
            e0 = pl.multiple_of(base + k * CHUNK, 128)
            pltpu.sync_copy(src_hbm.at[pl.ds(e0, CHUNK)], siA)
            pltpu.sync_copy(dst_hbm.at[pl.ds(e0, CHUNK)], diA)
            pltpu.async_copy(x_hbm.at[siA], rA, gA).wait()
            pltpu.sync_copy(rA, acc_sh.at[diA], add=True)
            return 0

        lax.fori_loop(0, n_chunks, body, 0)
        plsc.subcore_barrier()
        for off, sz in _ROW_CHUNKS:
            r0 = pl.multiple_of(sid * ROWS_PER_TILE + off, 32)
            pltpu.sync_copy(acc_sh.at[pl.ds(r0, sz)], out_hbm.at[cid, pl.ds(r0, sz)])

    return agg_kernel


_BR = 1024


def _dinv_block(degp_blk):
    return lax.rsqrt(degp_blk[0, :, 0:1] + degp_blk[1, :, 0:1] + 1.0)


def _tc_prep(degp, x_pad):

    def body(degp_ref, x_ref, xs_ref):
        xs_ref[...] = x_ref[...] * _dinv_block(degp_ref[...])

    return pl.pallas_call(
        body,
        grid=(NP // _BR,),
        in_specs=[
            pl.BlockSpec((NC, _BR, DEG_W), lambda i: (0, i, 0)),
            pl.BlockSpec((_BR, D), lambda i: (i, 0)),
        ],
        out_specs=pl.BlockSpec((_BR, D), lambda i: (i, 0)),
        out_shape=jax.ShapeDtypeStruct((NP, D), jnp.float32),
    )(degp, x_pad)


def _tc_mid(p, xs, degp, W1, b1, W2):

    def body(p_ref, xs_ref, degp_ref, w1_ref, b1_ref, w2_ref, hs_ref):
        i = pl.program_id(0)
        dinv = _dinv_block(degp_ref[...])
        y = (p_ref[0] + p_ref[1] + xs_ref[...]) * dinv
        x1 = jnp.maximum(jnp.dot(y, w1_ref[...], preferred_element_type=jnp.float32) + b1_ref[...], 0.0)
        h = jnp.dot(x1, w2_ref[...], preferred_element_type=jnp.float32)
        row = i * _BR + lax.broadcasted_iota(jnp.int32, (_BR, 1), 0)
        hs_ref[...] = jnp.where(row < N_NODES, h * dinv, 0.0)

    return pl.pallas_call(
        body,
        grid=(NP // _BR,),
        in_specs=[
            pl.BlockSpec((NC, _BR, D), lambda i: (0, i, 0)),
            pl.BlockSpec((_BR, D), lambda i: (i, 0)),
            pl.BlockSpec((NC, _BR, DEG_W), lambda i: (0, i, 0)),
            pl.BlockSpec((D, 2 * D), lambda i: (0, 0)),
            pl.BlockSpec((1, 2 * D), lambda i: (0, 0)),
            pl.BlockSpec((2 * D, D), lambda i: (0, 0)),
        ],
        out_specs=pl.BlockSpec((_BR, D), lambda i: (i, 0)),
        out_shape=jax.ShapeDtypeStruct((NP, D), jnp.float32),
    )(p, xs, degp, W1, b1, W2)


def _tc_final(q, hs, degp, b2):

    def body(q_ref, hs_ref, degp_ref, b2_ref, out_ref):
        dinv = _dinv_block(degp_ref[...])
        out_ref[...] = (q_ref[0] + q_ref[1] + hs_ref[...]) * dinv + b2_ref[...]

    return pl.pallas_call(
        body,
        grid=(NP // _BR,),
        in_specs=[
            pl.BlockSpec((NC, _BR, D), lambda i: (0, i, 0)),
            pl.BlockSpec((_BR, D), lambda i: (i, 0)),
            pl.BlockSpec((NC, _BR, DEG_W), lambda i: (0, i, 0)),
            pl.BlockSpec((1, D), lambda i: (0, 0)),
        ],
        out_specs=pl.BlockSpec((_BR, D), lambda i: (i, 0)),
        out_shape=jax.ShapeDtypeStruct((NP, D), jnp.float32),
    )(q, hs, degp, b2)


def kernel(sent_encoder_embeds, edge_index, W1, b1, W2, b2):
    x = sent_encoder_embeds
    src = edge_index[0]
    dst = edge_index[1]
    n_edges = src.shape[0]
    per_seg = NW * CHUNK * SEG
    ep = ((n_edges + per_seg - 1) // per_seg) * per_seg
    n_chunks = ep // (NW * CHUNK)
    pad = jnp.full((ep - n_edges,), N_NODES, jnp.int32)
    src_p = jnp.concatenate([src, pad])
    dst_p = jnp.concatenate([dst, pad])
    x_pad = jnp.pad(x, ((0, NP - N_NODES), (0, 0)))

    sc_agg = _make_sc_agg(n_chunks)
    degc = _sc_deg(dst_p, n_chunks)
    xs = _tc_prep(degc, x_pad)
    p = sc_agg(xs, src_p, dst_p)
    hs = _tc_mid(p, xs, degc, W1.astype(jnp.float32), b1.reshape(1, -1), W2.astype(jnp.float32))
    q = sc_agg(hs, src_p, dst_p)
    out = _tc_final(q, hs, degc, b2.reshape(1, -1))
    return out[:N_NODES]

# --- scband reference (transcript-rebuilt; emitter-appended) ---
"""Pipeline reference for scband-sentence-encoder-gae-38448547234393 (READ-ONLY COPY).

The authoritative reference and input builder live on the scoring server;
editing this copy changes nothing except your own understanding.
"""

import jax, jax.numpy as jnp
import numpy as np

N_NODES = 10000
N_EDGES = 320000
D_IN = 128
D_OUT = 128


def _gcn_conv(x, src, dst, W, b):
    # GCNConv with add_self_loops=True and symmetric normalization
    n = x.shape[0]
    loop = jnp.arange(n, dtype=src.dtype)
    src_f = jnp.concatenate([src, loop])
    dst_f = jnp.concatenate([dst, loop])
    deg = jnp.zeros((n,), x.dtype).at[dst_f].add(1.0)
    deg_inv_sqrt = jnp.where(deg > 0, 1.0 / jnp.sqrt(deg), 0.0)
    norm = deg_inv_sqrt[src_f] * deg_inv_sqrt[dst_f]
    h = x @ W
    msg = h[src_f] * norm[:, None]
    out = jax.ops.segment_sum(msg, dst_f, num_segments=n)
    return out + b


def setup_inputs(seed: int = 0) -> dict:
    key = jax.random.key(seed)
    k1, k2, k3, k4, k5, k6 = jax.random.split(key, 6)
    sent_encoder_embeds = jax.random.normal(k1, (N_NODES, D_IN), dtype=jnp.float32)
    edge_index = jax.random.randint(k2, (2, N_EDGES), 0, N_NODES, dtype=jnp.int32)
    # conv1: in_channels -> 2*out_channels ; conv2: 2*out_channels -> out_channels
    W1 = jax.random.normal(k3, (D_IN, 2 * D_OUT), dtype=jnp.float32) * (1.0 / np.sqrt(D_IN))
    b1 = jnp.zeros((2 * D_OUT,), dtype=jnp.float32)
    W2 = jax.random.normal(k4, (2 * D_OUT, D_OUT), dtype=jnp.float32) * (1.0 / np.sqrt(2 * D_OUT))
    b2 = jnp.zeros((D_OUT,), dtype=jnp.float32)
    return {"sent_encoder_embeds": sent_encoder_embeds, "edge_index": edge_index, "W1": W1, "b1": b1, "W2": W2, "b2": b2}


def reference(sent_encoder_embeds, edge_index, W1, b1, W2, b2):
    src = edge_index[0]
    dst = edge_index[1]
    x1 = jax.nn.relu(_gcn_conv(sent_encoder_embeds, src, dst, W1, b1))
    x2 = _gcn_conv(x1, src, dst, W2, b2)
    return x2

if __name__ == "__main__":
    import jax
    _d = setup_inputs()
    print(jax.jit(kernel)(*tuple(_d.values())))

</pallas_src>

<mosaic_0001>
#map = affine_map<(d0, d1) -> (0)>
#map1 = affine_map<(d0, d1) -> (0, 0, 0)>
module attributes {stable_mosaic.version = 14 : i64} {
  func.func @deg_kernel(%arg0: i32, %arg1: i32, %arg2: memref<327680xi32, #tpu.memory_space<hbm>>, %arg3: memref<2x10240x16xf32, #tpu.memory_space<hbm>>, %arg4: memref<128xi32, #tpu.memory_space<vmem>>, %arg5: memref<128x16xf32, #tpu.memory_space<vmem>>, %arg6: memref<128x16xf32, #tpu.memory_space<vmem>>, %arg7: memref<10240x16xf32, #tpu.memory_space<vmem_shared>>) attributes {dimension_semantics = [#tpu.dimension_semantics<core_parallel>, #tpu.dimension_semantics<subcore_parallel>], iteration_bounds = array<i64: 2, 16>, scalar_prefetch = 0 : i64, scratch_operands = 4 : i64, tpu.core_type = #tpu.core_type<sc_vector_subcore>, window_params = [{transform_indices = #map}, {transform_indices = #map1}]} {
    %mul3A = arith.constant 16 : i32
    %mul3A_0 = arith.muli %arg0, %mul3A : i32
    %add3A = arith.addi %mul3A_0, %arg1 : i32
    %scan3A = arith.constant 0 : i32
    %scan3A_1 = arith.constant 0 : i32
    %scan3A_2 = arith.constant 128 : i32
    %scan3A_3 = arith.addi %scan3A_1, %scan3A_2 : i32
    %scan3A_4 = arith.constant 1 : i32
    %scan3A_5 = scf.for %scan3A_63 = %scan3A_1 to %scan3A_3 step %scan3A_4 iter_args(%scan3A_64 = %scan3A) -> (i32)  : i32 {
      %broadcast_in_dim3A = arith.constant 1.000000e+00 : f32
      %broadcast_in_dim3A_65 = vector.broadcast %broadcast_in_dim3A : f32 to vector<16xf32>
      %swap3A = arith.index_cast %scan3A_63 : i32 to index
      %swap3A_66 = arith.constant 0 : index
      %swap3A_67 = tpu.vector_load %arg5[%swap3A, %swap3A_66] {strides = array<i32>} : memref<128x16xf32, #tpu.memory_space<vmem>>, vector<1x16xf32>,
      %swap3A_68 = vector.shape_cast %swap3A_67 : vector<1x16xf32> to vector<16xf32>
      %swap3A_69 = vector.shape_cast %broadcast_in_dim3A_65 : vector<16xf32> to vector<1x16xf32>
      tpu.vector_store %arg5[%swap3A, %swap3A_66], %swap3A_69 {strides = array<i32>} : memref<128x16xf32, #tpu.memory_space<vmem>>, vector<1x16xf32>,
      %broadcast_in_dim3A_70 = arith.constant 0.000000e+00 : f32
      %broadcast_in_dim3A_71 = vector.broadcast %broadcast_in_dim3A_70 : f32 to vector<16xf32>
      %swap3A_72 = arith.index_cast %scan3A_63 : i32 to index
      %swap3A_73 = arith.constant 0 : index
      %swap3A_74 = tpu.vector_load %arg6[%swap3A_72, %swap3A_73] {strides = array<i32>} : memref<128x16xf32, #tpu.memory_space<vmem>>, vector<1x16xf32>,
      %swap3A_75 = vector.shape_cast %swap3A_74 : vector<1x16xf32> to vector<16xf32>
      %swap3A_76 = vector.shape_cast %broadcast_in_dim3A_71 : vector<16xf32> to vector<1x16xf32>
      tpu.vector_store %arg6[%swap3A_72, %swap3A_73], %swap3A_76 {strides = array<i32>} : memref<128x16xf32, #tpu.memory_space<vmem>>, vector<1x16xf32>,
      %scan3A_77 = arith.constant 0 : i32
      scf.yield %scan3A_77 : i32
    }
    %scan3A_6 = arith.constant 128 : i32
    %mul3A_7 = arith.constant 640 : i32
    %mul3A_8 = arith.muli %arg1, %mul3A_7 : i32
    %add3A_9 = arith.constant 0 : i32
    %add3A_10 = arith.addi %mul3A_8, %add3A_9 : i32
    "tpu.region"() ({
      %run_scoped3A = tpu.sem_alloc : memref<!tpu.dma_semaphore, #tpu.memory_space<semaphore_mem>>
      %dma_start3A = arith.constant 0 : i32
      %dma_start3A_63 = arith.constant 0 : i32
      %dma_start3A_64 = tpu.memref_slice %arg6[%dma_start3A, %dma_start3A_63] : memref<128x16xf32, #tpu.memory_space<vmem>> -> memref<128x16xf32, #tpu.memory_space<vmem>>
      %dma_start3A_65 = arith.constant 0 : i32
      %dma_start3A_66 = tpu.memref_slice %arg7[%add3A_10, %dma_start3A_65] : memref<10240x16xf32, #tpu.memory_space<vmem_shared>> -> memref<128x16xf32, #tpu.memory_space<vmem_shared>>
      %dma_start3A_67 = arith.constant 0 : i32
      %dma_start3A_68 = tpu.memref_slice %arg7[%add3A_10, %dma_start3A_67] : memref<10240x16xf32, #tpu.memory_space<vmem_shared>> -> memref<128x16xf32, #tpu.memory_space<vmem_shared>>
      %dma_start3A_69 = arith.constant 0 : i32
      %dma_start3A_70 = arith.constant 0 : i32
      %dma_start3A_71 = tpu.memref_slice %arg6[%dma_start3A_69, %dma_start3A_70] : memref<128x16xf32, #tpu.memory_space<vmem>> -> memref<128x16xf32, #tpu.memory_space<vmem>>
      tpu.enqueue_dma source(%dma_start3A_71 : memref<128x16xf32, #tpu.memory_space<vmem>>) target(%dma_start3A_68 : memref<128x16xf32, #tpu.memory_space<vmem_shared>>) target_semaphore(%run_scoped3A : memref<!tpu.dma_semaphore, #tpu.memory_space<semaphore_mem>>)
      %dma_wait3A = arith.constant 0 : i32
      %dma_wait3A_72 = arith.constant 0 : i32
      %dma_wait3A_73 = tpu.memref_slice %arg6[%dma_wait3A, %dma_wait3A_72] : memref<128x16xf32, #tpu.memory_space<vmem>> -> memref<128x16xf32, #tpu.memory_space<vmem>>
      %dma_wait3A_74 = arith.constant 0 : i32
      %dma_wait3A_75 = tpu.memref_slice %arg7[%add3A_10, %dma_wait3A_74] : memref<10240x16xf32, #tpu.memory_space<vmem_shared>> -> memref<128x16xf32, #tpu.memory_space<vmem_shared>>
      %dma_wait3A_76 = arith.constant 0 : i32
      %dma_wait3A_77 = tpu.memref_slice %arg7[%add3A_10, %dma_wait3A_76] : memref<10240x16xf32, #tpu.memory_space<vmem_shared>> -> memref<128x16xf32, #tpu.memory_space<vmem_shared>>
      %dma_wait3A_78 = arith.constant 0 : i32
      %dma_wait3A_79 = arith.constant 0 : i32
      %dma_wait3A_80 = tpu.memref_slice %arg6[%dma_wait3A_78, %dma_wait3A_79] : memref<128x16xf32, #tpu.memory_space<vmem>> -> memref<128x16xf32, #tpu.memory_space<vmem>>
      tpu.wait_dma2 semaphore(%run_scoped3A : memref<!tpu.dma_semaphore, #tpu.memory_space<semaphore_mem>>) src(%dma_wait3A_80 : memref<128x16xf32, #tpu.memory_space<vmem>>) dst(%dma_wait3A_77 : memref<128x16xf32, #tpu.memory_space<vmem_shared>>)
      tpu.yield
    }) : () -> ()
    %mul3A_11 = arith.constant 640 : i32
    %mul3A_12 = arith.muli %arg1, %mul3A_11 : i32
    %add3A_13 = arith.constant 128 : i32
    %add3A_14 = arith.addi %mul3A_12, %add3A_13 : i32
    "tpu.region"() ({
      %run_scoped3A = tpu.sem_alloc : memref<!tpu.dma_semaphore, #tpu.memory_space<semaphore_mem>>
      %dma_start3A = arith.constant 0 : i32
      %dma_start3A_63 = arith.constant 0 : i32
      %dma_start3A_64 = tpu.memref_slice %arg6[%dma_start3A, %dma_start3A_63] : memref<128x16xf32, #tpu.memory_space<vmem>> -> memref<128x16xf32, #tpu.memory_space<vmem>>
      %dma_start3A_65 = arith.constant 0 : i32
      %dma_start3A_66 = tpu.memref_slice %arg7[%add3A_14, %dma_start3A_65] : memref<10240x16xf32, #tpu.memory_space<vmem_shared>> -> memref<128x16xf32, #tpu.memory_space<vmem_shared>>
      %dma_start3A_67 = arith.constant 0 : i32
      %dma_start3A_68 = tpu.memref_slice %arg7[%add3A_14, %dma_start3A_67] : memref<10240x16xf32, #tpu.memory_space<vmem_shared>> -> memref<128x16xf32, #tpu.memory_space<vmem_shared>>
      %dma_start3A_69 = arith.constant 0 : i32
      %dma_start3A_70 = arith.constant 0 : i32
      %dma_start3A_71 = tpu.memref_slice %arg6[%dma_start3A_69, %dma_start3A_70] : memref<128x16xf32, #tpu.memory_space<vmem>> -> memref<128x16xf32, #tpu.memory_space<vmem>>
      tpu.enqueue_dma source(%dma_start3A_71 : memref<128x16xf32, #tpu.memory_space<vmem>>) target(%dma_start3A_68 : memref<128x16xf32, #tpu.memory_space<vmem_shared>>) target_semaphore(%run_scoped3A : memref<!tpu.dma_semaphore, #tpu.memory_space<semaphore_mem>>)
      %dma_wait3A = arith.constant 0 : i32
      %dma_wait3A_72 = arith.constant 0 : i32
      %dma_wait3A_73 = tpu.memref_slice %arg6[%dma_wait3A, %dma_wait3A_72] : memref<128x16xf32, #tpu.memory_space<vmem>> -> memref<128x16xf32, #tpu.memory_space<vmem>>
      %dma_wait3A_74 = arith.constant 0 : i32
      %dma_wait3A_75 = tpu.memref_slice %arg7[%add3A_14, %dma_wait3A_74] : memref<10240x16xf32, #tpu.memory_space<vmem_shared>> -> memref<128x16xf32, #tpu.memory_space<vmem_shared>>
      %dma_wait3A_76 = arith.constant 0 : i32
      %dma_wait3A_77 = tpu.memref_slice %arg7[%add3A_14, %dma_wait3A_76] : memref<10240x16xf32, #tpu.memory_space<vmem_shared>> -> memref<128x16xf32, #tpu.memory_space<vmem_shared>>
      %dma_wait3A_78 = arith.constant 0 : i32
      %dma_wait3A_79 = arith.constant 0 : i32
      %dma_wait3A_80 = tpu.memref_slice %arg6[%dma_wait3A_78, %dma_wait3A_79] : memref<128x16xf32, #tpu.memory_space<vmem>> -> memref<128x16xf32, #tpu.memory_space<vmem>>
      tpu.wait_dma2 semaphore(%run_scoped3A : memref<!tpu.dma_semaphore, #tpu.memory_space<semaphore_mem>>) src(%dma_wait3A_80 : memref<128x16xf32, #tpu.memory_space<vmem>>) dst(%dma_wait3A_77 : memref<128x16xf32, #tpu.memory_space<vmem_shared>>)
      tpu.yield
    }) : () -> ()
    %mul3A_15 = arith.constant 640 : i32
    %mul3A_16 = arith.muli %arg1, %mul3A_15 : i32
    %add3A_17 = arith.constant 256 : i32
    %add3A_18 = arith.addi %mul3A_16, %add3A_17 : i32
    "tpu.region"() ({
      %run_scoped3A = tpu.sem_alloc : memref<!tpu.dma_semaphore, #tpu.memory_space<semaphore_mem>>
      %dma_start3A = arith.constant 0 : i32
      %dma_start3A_63 = arith.constant 0 : i32
      %dma_start3A_64 = tpu.memref_slice %arg6[%dma_start3A, %dma_start3A_63] : memref<128x16xf32, #tpu.memory_space<vmem>> -> memref<128x16xf32, #tpu.memory_space<vmem>>
      %dma_start3A_65 = arith.constant 0 : i32
      %dma_start3A_66 = tpu.memref_slice %arg7[%add3A_18, %dma_start3A_65] : memref<10240x16xf32, #tpu.memory_space<vmem_shared>> -> memref<128x16xf32, #tpu.memory_space<vmem_shared>>
      %dma_start3A_67 = arith.constant 0 : i32
      %dma_start3A_68 = tpu.memref_slice %arg7[%add3A_18, %dma_start3A_67] : memref<10240x16xf32, #tpu.memory_space<vmem_shared>> -> memref<128x16xf32, #tpu.memory_space<vmem_shared>>
      %dma_start3A_69 = arith.constant 0 : i32
      %dma_start3A_70 = arith.constant 0 : i32
      %dma_start3A_71 = tpu.memref_slice %arg6[%dma_start3A_69, %dma_start3A_70] : memref<128x16xf32, #tpu.memory_space<vmem>> -> memref<128x16xf32, #tpu.memory_space<vmem>>
      tpu.enqueue_dma source(%dma_start3A_71 : memref<128x16xf32, #tpu.memory_space<vmem>>) target(%dma_start3A_68 : memref<128x16xf32, #tpu.memory_space<vmem_shared>>) target_semaphore(%run_scoped3A : memref<!tpu.dma_semaphore, #tpu.memory_space<semaphore_mem>>)
      %dma_wait3A = arith.constant 0 : i32
      %dma_wait3A_72 = arith.constant 0 : i32
      %dma_wait3A_73 = tpu.memref_slice %arg6[%dma_wait3A, %dma_wait3A_72] : memref<128x16xf32, #tpu.memory_space<vmem>> -> memref<128x16xf32, #tpu.memory_space<vmem>>
      %dma_wait3A_74 = arith.constant 0 : i32
      %dma_wait3A_75 = tpu.memref_slice %arg7[%add3A_18, %dma_wait3A_74] : memref<10240x16xf32, #tpu.memory_space<vmem_shared>> -> memref<128x16xf32, #tpu.memory_space<vmem_shared>>
      %dma_wait3A_76 = arith.constant 0 : i32
      %dma_wait3A_77 = tpu.memref_slice %arg7[%add3A_18, %dma_wait3A_76] : memref<10240x16xf32, #tpu.memory_space<vmem_shared>> -> memref<128x16xf32, #tpu.memory_space<vmem_shared>>
      %dma_wait3A_78 = arith.constant 0 : i32
      %dma_wait3A_79 = arith.constant 0 : i32
      %dma_wait3A_80 = tpu.memref_slice %arg6[%dma_wait3A_78, %dma_wait3A_79] : memref<128x16xf32, #tpu.memory_space<vmem>> -> memref<128x16xf32, #tpu.memory_space<vmem>>
      tpu.wait_dma2 semaphore(%run_scoped3A : memref<!tpu.dma_semaphore, #tpu.memory_space<semaphore_mem>>) src(%dma_wait3A_80 : memref<128x16xf32, #tpu.memory_space<vmem>>) dst(%dma_wait3A_77 : memref<128x16xf32, #tpu.memory_space<vmem_shared>>)
      tpu.yield
    }) : () -> ()
    %mul3A_19 = arith.constant 640 : i32
    %mul3A_20 = arith.muli %arg1, %mul3A_19 : i32
    %add3A_21 = arith.constant 384 : i32
    %add3A_22 = arith.addi %mul3A_20, %add3A_21 : i32
    "tpu.region"() ({
      %run_scoped3A = tpu.sem_alloc : memref<!tpu.dma_semaphore, #tpu.memory_space<semaphore_mem>>
      %dma_start3A = arith.constant 0 : i32
      %dma_start3A_63 = arith.constant 0 : i32
      %dma_start3A_64 = tpu.memref_slice %arg6[%dma_start3A, %dma_start3A_63] : memref<128x16xf32, #tpu.memory_space<vmem>> -> memref<128x16xf32, #tpu.memory_space<vmem>>
      %dma_start3A_65 = arith.constant 0 : i32
      %dma_start3A_66 = tpu.memref_slice %arg7[%add3A_22, %dma_start3A_65] : memref<10240x16xf32, #tpu.memory_space<vmem_shared>> -> memref<128x16xf32, #tpu.memory_space<vmem_shared>>
      %dma_start3A_67 = arith.constant 0 : i32
      %dma_start3A_68 = tpu.memref_slice %arg7[%add3A_22, %dma_start3A_67] : memref<10240x16xf32, #tpu.memory_space<vmem_shared>> -> memref<128x16xf32, #tpu.memory_space<vmem_shared>>
      %dma_start3A_69 = arith.constant 0 : i32
      %dma_start3A_70 = arith.constant 0 : i32
      %dma_start3A_71 = tpu.memref_slice %arg6[%dma_start3A_69, %dma_start3A_70] : memref<128x16xf32, #tpu.memory_space<vmem>> -> memref<128x16xf32, #tpu.memory_space<vmem>>
      tpu.enqueue_dma source(%dma_start3A_71 : memref<128x16xf32, #tpu.memory_space<vmem>>) target(%dma_start3A_68 : memref<128x16xf32, #tpu.memory_space<vmem_shared>>) target_semaphore(%run_scoped3A : memref<!tpu.dma_semaphore, #tpu.memory_space<semaphore_mem>>)
      %dma_wait3A = arith.constant 0 : i32
      %dma_wait3A_72 = arith.constant 0 : i32
      %dma_wait3A_73 = tpu.memref_slice %arg6[%dma_wait3A, %dma_wait3A_72] : memref<128x16xf32, #tpu.memory_space<vmem>> -> memref<128x16xf32, #tpu.memory_space<vmem>>
      %dma_wait3A_74 = arith.constant 0 : i32
      %dma_wait3A_75 = tpu.memref_slice %arg7[%add3A_22, %dma_wait3A_74] : memref<10240x16xf32, #tpu.memory_space<vmem_shared>> -> memref<128x16xf32, #tpu.memory_space<vmem_shared>>
      %dma_wait3A_76 = arith.constant 0 : i32
      %dma_wait3A_77 = tpu.memref_slice %arg7[%add3A_22, %dma_wait3A_76] : memref<10240x16xf32, #tpu.memory_space<vmem_shared>> -> memref<128x16xf32, #tpu.memory_space<vmem_shared>>
      %dma_wait3A_78 = arith.constant 0 : i32
      %dma_wait3A_79 = arith.constant 0 : i32
      %dma_wait3A_80 = tpu.memref_slice %arg6[%dma_wait3A_78, %dma_wait3A_79] : memref<128x16xf32, #tpu.memory_space<vmem>> -> memref<128x16xf32, #tpu.memory_space<vmem>>
      tpu.wait_dma2 semaphore(%run_scoped3A : memref<!tpu.dma_semaphore, #tpu.memory_space<semaphore_mem>>) src(%dma_wait3A_80 : memref<128x16xf32, #tpu.memory_space<vmem>>) dst(%dma_wait3A_77 : memref<128x16xf32, #tpu.memory_space<vmem_shared>>)
      tpu.yield
    }) : () -> ()
    %mul3A_23 = arith.constant 640 : i32
    %mul3A_24 = arith.muli %arg1, %mul3A_23 : i32
    %add3A_25 = arith.constant 512 : i32
    %add3A_26 = arith.addi %mul3A_24, %add3A_25 : i32
    "tpu.region"() ({
      %run_scoped3A = tpu.sem_alloc : memref<!tpu.dma_semaphore, #tpu.memory_space<semaphore_mem>>
      %dma_start3A = arith.constant 0 : i32
      %dma_start3A_63 = arith.constant 0 : i32
      %dma_start3A_64 = tpu.memref_slice %arg6[%dma_start3A, %dma_start3A_63] : memref<128x16xf32, #tpu.memory_space<vmem>> -> memref<128x16xf32, #tpu.memory_space<vmem>>
      %dma_start3A_65 = arith.constant 0 : i32
      %dma_start3A_66 = tpu.memref_slice %arg7[%add3A_26, %dma_start3A_65] : memref<10240x16xf32, #tpu.memory_space<vmem_shared>> -> memref<128x16xf32, #tpu.memory_space<vmem_shared>>
      %dma_start3A_67 = arith.constant 0 : i32
      %dma_start3A_68 = tpu.memref_slice %arg7[%add3A_26, %dma_start3A_67] : memref<10240x16xf32, #tpu.memory_space<vmem_shared>> -> memref<128x16xf32, #tpu.memory_space<vmem_shared>>
      %dma_start3A_69 = arith.constant 0 : i32
      %dma_start3A_70 = arith.constant 0 : i32
      %dma_start3A_71 = tpu.memref_slice %arg6[%dma_start3A_69, %dma_start3A_70] : memref<128x16xf32, #tpu.memory_space<vmem>> -> memref<128x16xf32, #tpu.memory_space<vmem>>
      tpu.enqueue_dma source(%dma_start3A_71 : memref<128x16xf32, #tpu.memory_space<vmem>>) target(%dma_start3A_68 : memref<128x16xf32, #tpu.memory_space<vmem_shared>>) target_semaphore(%run_scoped3A : memref<!tpu.dma_semaphore, #tpu.memory_space<semaphore_mem>>)
      %dma_wait3A = arith.constant 0 : i32
      %dma_wait3A_72 = arith.constant 0 : i32
      %dma_wait3A_73 = tpu.memref_slice %arg6[%dma_wait3A, %dma_wait3A_72] : memref<128x16xf32, #tpu.memory_space<vmem>> -> memref<128x16xf32, #tpu.memory_space<vmem>>
      %dma_wait3A_74 = arith.constant 0 : i32
      %dma_wait3A_75 = tpu.memref_slice %arg7[%add3A_26, %dma_wait3A_74] : memref<10240x16xf32, #tpu.memory_space<vmem_shared>> -> memref<128x16xf32, #tpu.memory_space<vmem_shared>>
      %dma_wait3A_76 = arith.constant 0 : i32
      %dma_wait3A_77 = tpu.memref_slice %arg7[%add3A_26, %dma_wait3A_76] : memref<10240x16xf32, #tpu.memory_space<vmem_shared>> -> memref<128x16xf32, #tpu.memory_space<vmem_shared>>
      %dma_wait3A_78 = arith.constant 0 : i32
      %dma_wait3A_79 = arith.constant 0 : i32
      %dma_wait3A_80 = tpu.memref_slice %arg6[%dma_wait3A_78, %dma_wait3A_79] : memref<128x16xf32, #tpu.memory_space<vmem>> -> memref<128x16xf32, #tpu.memory_space<vmem>>
      tpu.wait_dma2 semaphore(%run_scoped3A : memref<!tpu.dma_semaphore, #tpu.memory_space<semaphore_mem>>) src(%dma_wait3A_80 : memref<128x16xf32, #tpu.memory_space<vmem>>) dst(%dma_wait3A_77 : memref<128x16xf32, #tpu.memory_space<vmem_shared>>)
      tpu.yield
    }) : () -> ()
    %barrier3A = arith.constant 0 : index
    tpu.barrier barrier_id(%barrier3A)
    %mul3A_27 = arith.constant 80 : i32
    %mul3A_28 = arith.muli %add3A, %mul3A_27 : i32
    %mul3A_29 = arith.constant 128 : i32
    %mul3A_30 = arith.muli %mul3A_28, %mul3A_29 : i32
    %scan3A_31 = arith.constant 0 : i32
    %scan3A_32 = arith.constant 0 : i32
    %scan3A_33 = arith.constant 80 : i32
    %scan3A_34 = arith.addi %scan3A_32, %scan3A_33 : i32
    %scan3A_35 = arith.constant 1 : i32
    %scan3A_36 = scf.for %scan3A_63 = %scan3A_32 to %scan3A_34 step %scan3A_35 iter_args(%scan3A_64 = %scan3A_31) -> (i32)  : i32 {
      %mul3A_65 = arith.constant 128 : i32
      %mul3A_66 = arith.muli %scan3A_63, %mul3A_65 : i32
      %add3A_67 = arith.addi %mul3A_30, %mul3A_66 : i32
      "tpu.region"() ({
        %run_scoped3A = tpu.sem_alloc : memref<!tpu.dma_semaphore, #tpu.memory_space<semaphore_mem>>
        %dma_start3A = tpu.memref_slice %arg2[%add3A_67] : memref<327680xi32, #tpu.memory_space<hbm>> -> memref<128xi32, #tpu.memory_space<hbm>>
        %dma_start3A_69 = tpu.memref_slice %arg2[%add3A_67] : memref<327680xi32, #tpu.memory_space<hbm>> -> memref<128xi32, #tpu.memory_space<hbm>>
        tpu.enqueue_dma source(%dma_start3A_69 : memref<128xi32, #tpu.memory_space<hbm>>) target(%arg4 : memref<128xi32, #tpu.memory_space<vmem>>) target_semaphore(%run_scoped3A : memref<!tpu.dma_semaphore, #tpu.memory_space<semaphore_mem>>)
        %dma_wait3A = tpu.memref_slice %arg2[%add3A_67] : memref<327680xi32, #tpu.memory_space<hbm>> -> memref<128xi32, #tpu.memory_space<hbm>>
        %dma_wait3A_70 = tpu.memref_slice %arg2[%add3A_67] : memref<327680xi32, #tpu.memory_space<hbm>> -> memref<128xi32, #tpu.memory_space<hbm>>
        tpu.wait_dma2 semaphore(%run_scoped3A : memref<!tpu.dma_semaphore, #tpu.memory_space<semaphore_mem>>) src(%dma_wait3A_70 : memref<128xi32, #tpu.memory_space<hbm>>) dst(%arg4 : memref<128xi32, #tpu.memory_space<vmem>>)
        tpu.yield
      }) : () -> ()
      "tpu.region"() ({
        %run_scoped3A = tpu.sem_alloc : memref<!tpu.dma_semaphore, #tpu.memory_space<semaphore_mem>>
        %dma_start3A = arith.constant 0 : i32
        %dma_start3A_69 = arith.constant 0 : i32
        %dma_start3A_70 = tpu.memref_slice %arg7[%dma_start3A, %dma_start3A_69] : memref<10240x16xf32, #tpu.memory_space<vmem_shared>> -> memref<10240x16xf32, #tpu.memory_space<vmem_shared>>
        tpu.enqueue_indirect_dma source(%arg5 : memref<128x16xf32, #tpu.memory_space<vmem>>) target(%dma_start3A_70 : memref<10240x16xf32, #tpu.memory_space<vmem_shared>>) offsets(%arg4 : memref<128xi32, #tpu.memory_space<vmem>>) semaphore(%run_scoped3A : memref<!tpu.dma_semaphore, #tpu.memory_space<semaphore_mem>>) {add = true}
        %dma_wait3A = arith.constant 0 : i32
        %dma_wait3A_71 = arith.constant 0 : i32
        %dma_wait3A_72 = tpu.memref_slice %arg7[%dma_wait3A, %dma_wait3A_71] : memref<10240x16xf32, #tpu.memory_space<vmem_shared>> -> memref<10240x16xf32, #tpu.memory_space<vmem_shared>>
        tpu.wait_indirect_dma semaphore(%run_scoped3A : memref<!tpu.dma_semaphore, #tpu.memory_space<semaphore_mem>>) src(%arg5 : memref<128x16xf32, #tpu.memory_space<vmem>>) dst(%dma_wait3A_72 : memref<10240x16xf32, #tpu.memory_space<vmem_shared>>)
        tpu.yield
      }) : () -> ()
      %scan3A_68 = arith.constant 0 : i32
      scf.yield %scan3A_68 : i32
    }
    %scan3A_37 = arith.constant 80 : i32
    %barrier3A_38 = arith.constant 0 : index
    tpu.barrier barrier_id(%barrier3A_38)
    %mul3A_39 = arith.constant 640 : i32
    %mul3A_40 = arith.muli %arg1, %mul3A_39 : i32
    %add3A_41 = arith.constant 0 : i32
    %add3A_42 = arith.addi %mul3A_40, %add3A_41 : i32
    %multiple_of3A = tpu.assume_multiple %add3A_42, 32 : i32
    "tpu.region"() ({
      %run_scoped3A = tpu.sem_alloc : memref<!tpu.dma_semaphore, #tpu.memory_space<semaphore_mem>>
      %dma_start3A = arith.constant 0 : i32
      %dma_start3A_63 = tpu.memref_slice %arg3[%arg0, %multiple_of3A, %dma_start3A] : memref<2x10240x16xf32, #tpu.memory_space<hbm>> -> memref<1x128x16xf32, #tpu.memory_space<hbm>>
      %dma_start3A_64 = tpu.memref_squeeze %dma_start3A_63 : memref<1x128x16xf32, #tpu.memory_space<hbm>> -> memref<128x16xf32, #tpu.memory_space<hbm>>
      %dma_start3A_65 = arith.constant 0 : i32
      %dma_start3A_66 = tpu.memref_slice %arg7[%multiple_of3A, %dma_start3A_65] : memref<10240x16xf32, #tpu.memory_space<vmem_shared>> -> memref<128x16xf32, #tpu.memory_space<vmem_shared>>
      tpu.enqueue_dma source(%dma_start3A_66 : memref<128x16xf32, #tpu.memory_space<vmem_shared>>) target(%dma_start3A_64 : memref<128x16xf32, #tpu.memory_space<hbm>>) target_semaphore(%run_scoped3A : memref<!tpu.dma_semaphore, #tpu.memory_space<semaphore_mem>>)
      %dma_wait3A = arith.constant 0 : i32
      %dma_wait3A_67 = tpu.memref_slice %arg3[%arg0, %multiple_of3A, %dma_wait3A] : memref<2x10240x16xf32, #tpu.memory_space<hbm>> -> memref<1x128x16xf32, #tpu.memory_space<hbm>>
      %dma_wait3A_68 = tpu.memref_squeeze %dma_wait3A_67 : memref<1x128x16xf32, #tpu.memory_space<hbm>> -> memref<128x16xf32, #tpu.memory_space<hbm>>
      %dma_wait3A_69 = arith.constant 0 : i32
      %dma_wait3A_70 = tpu.memref_slice %arg7[%multiple_of3A, %dma_wait3A_69] : memref<10240x16xf32, #tpu.memory_space<vmem_shared>> -> memref<128x16xf32, #tpu.memory_space<vmem_shared>>
      tpu.wait_dma2 semaphore(%run_scoped3A : memref<!tpu.dma_semaphore, #tpu.memory_space<semaphore_mem>>) src(%dma_wait3A_70 : memref<128x16xf32, #tpu.memory_space<vmem_shared>>) dst(%dma_wait3A_68 : memref<128x16xf32, #tpu.memory_space<hbm>>)
      tpu.yield
    }) : () -> ()
    %mul3A_43 = arith.constant 640 : i32
    %mul3A_44 = arith.muli %arg1, %mul3A_43 : i32
    %add3A_45 = arith.constant 128 : i32
    %add3A_46 = arith.addi %mul3A_44, %add3A_45 : i32
    %multiple_of3A_47 = tpu.assume_multiple %add3A_46, 32 : i32
    "tpu.region"() ({
      %run_scoped3A = tpu.sem_alloc : memref<!tpu.dma_semaphore, #tpu.memory_space<semaphore_mem>>
      %dma_start3A = arith.constant 0 : i32
      %dma_start3A_63 = tpu.memref_slice %arg3[%arg0, %multiple_of3A_47, %dma_start3A] : memref<2x10240x16xf32, #tpu.memory_space<hbm>> -> memref<1x128x16xf32, #tpu.memory_space<hbm>>
      %dma_start3A_64 = tpu.memref_squeeze %dma_start3A_63 : memref<1x128x16xf32, #tpu.memory_space<hbm>> -> memref<128x16xf32, #tpu.memory_space<hbm>>
      %dma_start3A_65 = arith.constant 0 : i32
      %dma_start3A_66 = tpu.memref_slice %arg7[%multiple_of3A_47, %dma_start3A_65] : memref<10240x16xf32, #tpu.memory_space<vmem_shared>> -> memref<128x16xf32, #tpu.memory_space<vmem_shared>>
      tpu.enqueue_dma source(%dma_start3A_66 : memref<128x16xf32, #tpu.memory_space<vmem_shared>>) target(%dma_start3A_64 : memref<128x16xf32, #tpu.memory_space<hbm>>) target_semaphore(%run_scoped3A : memref<!tpu.dma_semaphore, #tpu.memory_space<semaphore_mem>>)
      %dma_wait3A = arith.constant 0 : i32
      %dma_wait3A_67 = tpu.memref_slice %arg3[%arg0, %multiple_of3A_47, %dma_wait3A] : memref<2x10240x16xf32, #tpu.memory_space<hbm>> -> memref<1x128x16xf32, #tpu.memory_space<hbm>>
      %dma_wait3A_68 = tpu.memref_squeeze %dma_wait3A_67 : memref<1x128x16xf32, #tpu.memory_space<hbm>> -> memref<128x16xf32, #tpu.memory_space<hbm>>
      %dma_wait3A_69 = arith.constant 0 : i32
      %dma_wait3A_70 = tpu.memref_slice %arg7[%multiple_of3A_47, %dma_wait3A_69] : memref<10240x16xf32, #tpu.memory_space<vmem_shared>> -> memref<128x16xf32, #tpu.memory_space<vmem_shared>>
      tpu.wait_dma2 semaphore(%run_scoped3A : memref<!tpu.dma_semaphore, #tpu.memory_space<semaphore_mem>>) src(%dma_wait3A_70 : memref<128x16xf32, #tpu.memory_space<vmem_shared>>) dst(%dma_wait3A_68 : memref<128x16xf32, #tpu.memory_space<hbm>>)
      tpu.yield
    }) : () -> ()
    %mul3A_48 = arith.constant 640 : i32
    %mul3A_49 = arith.muli %arg1, %mul3A_48 : i32
    %add3A_50 = arith.constant 256 : i32
    %add3A_51 = arith.addi %mul3A_49, %add3A_50 : i32
    %multiple_of3A_52 = tpu.assume_multiple %add3A_51, 32 : i32
    "tpu.region"() ({
      %run_scoped3A = tpu.sem_alloc : memref<!tpu.dma_semaphore, #tpu.memory_space<semaphore_mem>>
      %dma_start3A = arith.constant 0 : i32
      %dma_start3A_63 = tpu.memref_slice %arg3[%arg0, %multiple_of3A_52, %dma_start3A] : memref<2x10240x16xf32, #tpu.memory_space<hbm>> -> memref<1x128x16xf32, #tpu.memory_space<hbm>>
      %dma_start3A_64 = tpu.memref_squeeze %dma_start3A_63 : memref<1x128x16xf32, #tpu.memory_space<hbm>> -> memref<128x16xf32, #tpu.memory_space<hbm>>
      %dma_start3A_65 = arith.constant 0 : i32
      %dma_start3A_66 = tpu.memref_slice %arg7[%multiple_of3A_52, %dma_start3A_65] : memref<10240x16xf32, #tpu.memory_space<vmem_shared>> -> memref<128x16xf32, #tpu.memory_space<vmem_shared>>
      tpu.enqueue_dma source(%dma_start3A_66 : memref<128x16xf32, #tpu.memory_space<vmem_shared>>) target(%dma_start3A_64 : memref<128x16xf32, #tpu.memory_space<hbm>>) target_semaphore(%run_scoped3A : memref<!tpu.dma_semaphore, #tpu.memory_space<semaphore_mem>>)
      %dma_wait3A = arith.constant 0 : i32
      %dma_wait3A_67 = tpu.memref_slice %arg3[%arg0, %multiple_of3A_52, %dma_wait3A] : memref<2x10240x16xf32, #tpu.memory_space<hbm>> -> memref<1x128x16xf32, #tpu.memory_space<hbm>>
      %dma_wait3A_68 = tpu.memref_squeeze %dma_wait3A_67 : memref<1x128x16xf32, #tpu.memory_space<hbm>> -> memref<128x16xf32, #tpu.memory_space<hbm>>
      %dma_wait3A_69 = arith.constant 0 : i32
      %dma_wait3A_70 = tpu.memref_slice %arg7[%multiple_of3A_52, %dma_wait3A_69] : memref<10240x16xf32, #tpu.memory_space<vmem_shared>> -> memref<128x16xf32, #tpu.memory_space<vmem_shared>>
      tpu.wait_dma2 semaphore(%run_scoped3A : memref<!tpu.dma_semaphore, #tpu.memory_space<semaphore_mem>>) src(%dma_wait3A_70 : memref<128x16xf32, #tpu.memory_space<vmem_shared>>) dst(%dma_wait3A_68 : memref<128x16xf32, #tpu.memory_space<hbm>>)
      tpu.yield
    }) : () -> ()
    %mul3A_53 = arith.constant 640 : i32
    %mul3A_54 = arith.muli %arg1, %mul3A_53 : i32
    %add3A_55 = arith.constant 384 : i32
    %add3A_56 = arith.addi %mul3A_54, %add3A_55 : i32
    %multiple_of3A_57 = tpu.assume_multiple %add3A_56, 32 : i32
    "tpu.region"() ({
      %run_scoped3A = tpu.sem_alloc : memref<!tpu.dma_semaphore, #tpu.memory_space<semaphore_mem>>
      %dma_start3A = arith.constant 0 : i32
      %dma_start3A_63 = tpu.memref_slice %arg3[%arg0, %multiple_of3A_57, %dma_start3A] : memref<2x10240x16xf32, #tpu.memory_space<hbm>> -> memref<1x128x16xf32, #tpu.memory_space<hbm>>
      %dma_start3A_64 = tpu.memref_squeeze %dma_start3A_63 : memref<1x128x16xf32, #tpu.memory_space<hbm>> -> memref<128x16xf32, #tpu.memory_space<hbm>>
      %dma_start3A_65 = arith.constant 0 : i32
      %dma_start3A_66 = tpu.memref_slice %arg7[%multiple_of3A_57, %dma_start3A_65] : memref<10240x16xf32, #tpu.memory_space<vmem_shared>> -> memref<128x16xf32, #tpu.memory_space<vmem_shared>>
      tpu.enqueue_dma source(%dma_start3A_66 : memref<128x16xf32, #tpu.memory_space<vmem_shared>>) target(%dma_start3A_64 : memref<128x16xf32, #tpu.memory_space<hbm>>) target_semaphore(%run_scoped3A : memref<!tpu.dma_semaphore, #tpu.memory_space<semaphore_mem>>)
      %dma_wait3A = arith.constant 0 : i32
      %dma_wait3A_67 = tpu.memref_slice %arg3[%arg0, %multiple_of3A_57, %dma_wait3A] : memref<2x10240x16xf32, #tpu.memory_space<hbm>> -> memref<1x128x16xf32, #tpu.memory_space<hbm>>
      %dma_wait3A_68 = tpu.memref_squeeze %dma_wait3A_67 : memref<1x128x16xf32, #tpu.memory_space<hbm>> -> memref<128x16xf32, #tpu.memory_space<hbm>>
      %dma_wait3A_69 = arith.constant 0 : i32
      %dma_wait3A_70 = tpu.memref_slice %arg7[%multiple_of3A_57, %dma_wait3A_69] : memref<10240x16xf32, #tpu.memory_space<vmem_shared>> -> memref<128x16xf32, #tpu.memory_space<vmem_shared>>
      tpu.wait_dma2 semaphore(%run_scoped3A : memref<!tpu.dma_semaphore, #tpu.memory_space<semaphore_mem>>) src(%dma_wait3A_70 : memref<128x16xf32, #tpu.memory_space<vmem_shared>>) dst(%dma_wait3A_68 : memref<128x16xf32, #tpu.memory_space<hbm>>)
      tpu.yield
    }) : () -> ()
    %mul3A_58 = arith.constant 640 : i32
    %mul3A_59 = arith.muli %arg1, %mul3A_58 : i32
    %add3A_60 = arith.constant 512 : i32
    %add3A_61 = arith.addi %mul3A_59, %add3A_60 : i32
    %multiple_of3A_62 = tpu.assume_multiple %add3A_61, 32 : i32
    "tpu.region"() ({
      %run_scoped3A = tpu.sem_alloc : memref<!tpu.dma_semaphore, #tpu.memory_space<semaphore_mem>>
      %dma_start3A = arith.constant 0 : i32
      %dma_start3A_63 = tpu.memref_slice %arg3[%arg0, %multiple_of3A_62, %dma_start3A] : memref<2x10240x16xf32, #tpu.memory_space<hbm>> -> memref<1x128x16xf32, #tpu.memory_space<hbm>>
      %dma_start3A_64 = tpu.memref_squeeze %dma_start3A_63 : memref<1x128x16xf32, #tpu.memory_space<hbm>> -> memref<128x16xf32, #tpu.memory_space<hbm>>
      %dma_start3A_65 = arith.constant 0 : i32
      %dma_start3A_66 = tpu.memref_slice %arg7[%multiple_of3A_62, %dma_start3A_65] : memref<10240x16xf32, #tpu.memory_space<vmem_shared>> -> memref<128x16xf32, #tpu.memory_space<vmem_shared>>
      tpu.enqueue_dma source(%dma_start3A_66 : memref<128x16xf32, #tpu.memory_space<vmem_shared>>) target(%dma_start3A_64 : memref<128x16xf32, #tpu.memory_space<hbm>>) target_semaphore(%run_scoped3A : memref<!tpu.dma_semaphore, #tpu.memory_space<semaphore_mem>>)
      %dma_wait3A = arith.constant 0 : i32
      %dma_wait3A_67 = tpu.memref_slice %arg3[%arg0, %multiple_of3A_62, %dma_wait3A] : memref<2x10240x16xf32, #tpu.memory_space<hbm>> -> memref<1x128x16xf32, #tpu.memory_space<hbm>>
      %dma_wait3A_68 = tpu.memref_squeeze %dma_wait3A_67 : memref<1x128x16xf32, #tpu.memory_space<hbm>> -> memref<128x16xf32, #tpu.memory_space<hbm>>
      %dma_wait3A_69 = arith.constant 0 : i32
      %dma_wait3A_70 = tpu.memref_slice %arg7[%multiple_of3A_62, %dma_wait3A_69] : memref<10240x16xf32, #tpu.memory_space<vmem_shared>> -> memref<128x16xf32, #tpu.memory_space<vmem_shared>>
      tpu.wait_dma2 semaphore(%run_scoped3A : memref<!tpu.dma_semaphore, #tpu.memory_space<semaphore_mem>>) src(%dma_wait3A_70 : memref<128x16xf32, #tpu.memory_space<vmem_shared>>) dst(%dma_wait3A_68 : memref<128x16xf32, #tpu.memory_space<hbm>>)
      tpu.yield
    }) : () -> ()
    return
  }
}

#map = affine_map<(d0, d1) -> (0, 0)>
#map1 = affine_map<(d0, d1) -> (0)>
#map2 = affine_map<(d0, d1) -> (0, 0, 0)>
module attributes {stable_mosaic.version = 14 : i64} {
  func.func @agg_kernel(%arg0: i32, %arg1: i32, %arg2: memref<10240x128xf32, #tpu.memory_space<hbm>>, %arg3: memref<327680xi32, #tpu.memory_space<hbm>>, %arg4: memref<327680xi32, #tpu.memory_space<hbm>>, %arg5: memref<2x10240x128xf32, #tpu.memory_space<hbm>>, %arg6: memref<128xi32, #tpu.memory_space<vmem>>, %arg7: memref<128xi32, #tpu.memory_space<vmem>>, %arg8: memref<128x128xf32, #tpu.memory_space<vmem>>, %arg9: memref<10240x128xf32, #tpu.memory_space<vmem_shared>>, %arg10: memref<!tpu.dma_semaphore, #tpu.memory_space<semaphore_mem>>) attributes {dimension_semantics = [#tpu.dimension_semantics<core_parallel>, #tpu.dimension_semantics<subcore_parallel>], iteration_bounds = array<i64: 2, 16>, scalar_prefetch = 0 : i64, scratch_operands = 5 : i64, tpu.core_type = #tpu.core_type<sc_vector_subcore>, window_params = [{transform_indices = #map}, {transform_indices = #map1}, {transform_indices = #map1}, {transform_indices = #map2}]} {
    %mul3A = arith.constant 16 : i32
    %mul3A_0 = arith.muli %arg0, %mul3A : i32
    %add3A = arith.addi %mul3A_0, %arg1 : i32
    %scan3A = arith.constant 0 : i32
    %scan3A_1 = arith.constant 0 : i32
    %scan3A_2 = arith.constant 128 : i32
    %scan3A_3 = arith.addi %scan3A_1, %scan3A_2 : i32
    %scan3A_4 = arith.constant 1 : i32
    %scan3A_5 = scf.for %scan3A_63 = %scan3A_1 to %scan3A_3 step %scan3A_4 iter_args(%scan3A_64 = %scan3A) -> (i32)  : i32 {
      %scan3A_65 = arith.constant 0 : i32
      %scan3A_66 = arith.constant 0 : i32
      %scan3A_67 = arith.constant 8 : i32
      %scan3A_68 = arith.addi %scan3A_66, %scan3A_67 : i32
      %scan3A_69 = arith.constant 1 : i32
      %scan3A_70 = scf.for %scan3A_73 = %scan3A_66 to %scan3A_68 step %scan3A_69 iter_args(%scan3A_74 = %scan3A_65) -> (i32)  : i32 {
        %broadcast_in_dim3A = arith.constant 0.000000e+00 : f32
        %broadcast_in_dim3A_75 = vector.broadcast %broadcast_in_dim3A : f32 to vector<16xf32>
        %mul3A_76 = arith.constant 16 : i32
        %mul3A_77 = arith.muli %scan3A_73, %mul3A_76 : i32
        %swap3A = arith.index_cast %scan3A_63 : i32 to index
        %swap3A_78 = arith.index_cast %mul3A_77 : i32 to index
        %swap3A_79 = tpu.vector_load %arg8[%swap3A, %swap3A_78] {strides = array<i32>} : memref<128x128xf32, #tpu.memory_space<vmem>>, vector<1x16xf32>,
        %swap3A_80 = vector.shape_cast %swap3A_79 : vector<1x16xf32> to vector<16xf32>
        %swap3A_81 = vector.shape_cast %broadcast_in_dim3A_75 : vector<16xf32> to vector<1x16xf32>
        tpu.vector_store %arg8[%swap3A, %swap3A_78], %swap3A_81 {strides = array<i32>} : memref<128x128xf32, #tpu.memory_space<vmem>>, vector<1x16xf32>,
        %scan3A_82 = arith.constant 0 : i32
        scf.yield %scan3A_82 : i32
      }
      %scan3A_71 = arith.constant 8 : i32
      %scan3A_72 = arith.constant 0 : i32
      scf.yield %scan3A_72 : i32
    }
    %scan3A_6 = arith.constant 128 : i32
    %mul3A_7 = arith.constant 640 : i32
    %mul3A_8 = arith.muli %arg1, %mul3A_7 : i32
    %add3A_9 = arith.constant 0 : i32
    %add3A_10 = arith.addi %mul3A_8, %add3A_9 : i32
    "tpu.region"() ({
      %run_scoped3A = tpu.sem_alloc : memref<!tpu.dma_semaphore, #tpu.memory_space<semaphore_mem>>
      %dma_start3A = arith.constant 0 : i32
      %dma_start3A_63 = arith.constant 0 : i32
      %dma_start3A_64 = tpu.memref_slice %arg8[%dma_start3A, %dma_start3A_63] : memref<128x128xf32, #tpu.memory_space<vmem>> -> memref<128x128xf32, #tpu.memory_space<vmem>>
      %dma_start3A_65 = arith.constant 0 : i32
      %dma_start3A_66 = tpu.memref_slice %arg9[%add3A_10, %dma_start3A_65] : memref<10240x128xf32, #tpu.memory_space<vmem_shared>> -> memref<128x128xf32, #tpu.memory_space<vmem_shared>>
      %dma_start3A_67 = arith.constant 0 : i32
      %dma_start3A_68 = tpu.memref_slice %arg9[%add3A_10, %dma_start3A_67] : memref<10240x128xf32, #tpu.memory_space<vmem_shared>> -> memref<128x128xf32, #tpu.memory_space<vmem_shared>>
      %dma_start3A_69 = arith.constant 0 : i32
      %dma_start3A_70 = arith.constant 0 : i32
      %dma_start3A_71 = tpu.memref_slice %arg8[%dma_start3A_69, %dma_start3A_70] : memref<128x128xf32, #tpu.memory_space<vmem>> -> memref<128x128xf32, #tpu.memory_space<vmem>>
      tpu.enqueue_dma source(%dma_start3A_71 : memref<128x128xf32, #tpu.memory_space<vmem>>) target(%dma_start3A_68 : memref<128x128xf32, #tpu.memory_space<vmem_shared>>) target_semaphore(%run_scoped3A : memref<!tpu.dma_semaphore, #tpu.memory_space<semaphore_mem>>)
      %dma_wait3A = arith.constant 0 : i32
      %dma_wait3A_72 = arith.constant 0 : i32
      %dma_wait3A_73 = tpu.memref_slice %arg8[%dma_wait3A, %dma_wait3A_72] : memref<128x128xf32, #tpu.memory_space<vmem>> -> memref<128x128xf32, #tpu.memory_space<vmem>>
      %dma_wait3A_74 = arith.constant 0 : i32
      %dma_wait3A_75 = tpu.memref_slice %arg9[%add3A_10, %dma_wait3A_74] : memref<10240x128xf32, #tpu.memory_space<vmem_shared>> -> memref<128x128xf32, #tpu.memory_space<vmem_shared>>
      %dma_wait3A_76 = arith.constant 0 : i32
      %dma_wait3A_77 = tpu.memref_slice %arg9[%add3A_10, %dma_wait3A_76] : memref<10240x128xf32, #tpu.memory_space<vmem_shared>> -> memref<128x128xf32, #tpu.memory_space<vmem_shared>>
      %dma_wait3A_78 = arith.constant 0 : i32
      %dma_wait3A_79 = arith.constant 0 : i32
      %dma_wait3A_80 = tpu.memref_slice %arg8[%dma_wait3A_78, %dma_wait3A_79] : memref<128x128xf32, #tpu.memory_space<vmem>> -> memref<128x128xf32, #tpu.memory_space<vmem>>
      tpu.wait_dma2 semaphore(%run_scoped3A : memref<!tpu.dma_semaphore, #tpu.memory_space<semaphore_mem>>) src(%dma_wait3A_80 : memref<128x128xf32, #tpu.memory_space<vmem>>) dst(%dma_wait3A_77 : memref<128x128xf32, #tpu.memory_space<vmem_shared>>)
      tpu.yield
    }) : () -> ()
    %mul3A_11 = arith.constant 640 : i32
    %mul3A_12 = arith.muli %arg1, %mul3A_11 : i32
    %add3A_13 = arith.constant 128 : i32
    %add3A_14 = arith.addi %mul3A_12, %add3A_13 : i32
    "tpu.region"() ({
      %run_scoped3A = tpu.sem_alloc : memref<!tpu.dma_semaphore, #tpu.memory_space<semaphore_mem>>
      %dma_start3A = arith.constant 0 : i32
      %dma_start3A_63 = arith.constant 0 : i32
      %dma_start3A_64 = tpu.memref_slice %arg8[%dma_start3A, %dma_start3A_63] : memref<128x128xf32, #tpu.memory_space<vmem>> -> memref<128x128xf32, #tpu.memory_space<vmem>>
      %dma_start3A_65 = arith.constant 0 : i32
      %dma_start3A_66 = tpu.memref_slice %arg9[%add3A_14, %dma_start3A_65] : memref<10240x128xf32, #tpu.memory_space<vmem_shared>> -> memref<128x128xf32, #tpu.memory_space<vmem_shared>>
      %dma_start3A_67 = arith.constant 0 : i32
      %dma_start3A_68 = tpu.memref_slice %arg9[%add3A_14, %dma_start3A_67] : memref<10240x128xf32, #tpu.memory_space<vmem_shared>> -> memref<128x128xf32, #tpu.memory_space<vmem_shared>>
      %dma_start3A_69 = arith.constant 0 : i32
      %dma_start3A_70 = arith.constant 0 : i32
      %dma_start3A_71 = tpu.memref_slice %arg8[%dma_start3A_69, %dma_start3A_70] : memref<128x128xf32, #tpu.memory_space<vmem>> -> memref<128x128xf32, #tpu.memory_space<vmem>>
      tpu.enqueue_dma source(%dma_start3A_71 : memref<128x128xf32, #tpu.memory_space<vmem>>) target(%dma_start3A_68 : memref<128x128xf32, #tpu.memory_space<vmem_shared>>) target_semaphore(%run_scoped3A : memref<!tpu.dma_semaphore, #tpu.memory_space<semaphore_mem>>)
      %dma_wait3A = arith.constant 0 : i32
      %dma_wait3A_72 = arith.constant 0 : i32
      %dma_wait3A_73 = tpu.memref_slice %arg8[%dma_wait3A, %dma_wait3A_72] : memref<128x128xf32, #tpu.memory_space<vmem>> -> memref<128x128xf32, #tpu.memory_space<vmem>>
      %dma_wait3A_74 = arith.constant 0 : i32
      %dma_wait3A_75 = tpu.memref_slice %arg9[%add3A_14, %dma_wait3A_74] : memref<10240x128xf32, #tpu.memory_space<vmem_shared>> -> memref<128x128xf32, #tpu.memory_space<vmem_shared>>
      %dma_wait3A_76 = arith.constant 0 : i32
      %dma_wait3A_77 = tpu.memref_slice %arg9[%add3A_14, %dma_wait3A_76] : memref<10240x128xf32, #tpu.memory_space<vmem_shared>> -> memref<128x128xf32, #tpu.memory_space<vmem_shared>>
      %dma_wait3A_78 = arith.constant 0 : i32
      %dma_wait3A_79 = arith.constant 0 : i32
      %dma_wait3A_80 = tpu.memref_slice %arg8[%dma_wait3A_78, %dma_wait3A_79] : memref<128x128xf32, #tpu.memory_space<vmem>> -> memref<128x128xf32, #tpu.memory_space<vmem>>
      tpu.wait_dma2 semaphore(%run_scoped3A : memref<!tpu.dma_semaphore, #tpu.memory_space<semaphore_mem>>) src(%dma_wait3A_80 : memref<128x128xf32, #tpu.memory_space<vmem>>) dst(%dma_wait3A_77 : memref<128x128xf32, #tpu.memory_space<vmem_shared>>)
      tpu.yield
    }) : () -> ()
    %mul3A_15 = arith.constant 640 : i32
    %mul3A_16 = arith.muli %arg1, %mul3A_15 : i32
    %add3A_17 = arith.constant 256 : i32
    %add3A_18 = arith.addi %mul3A_16, %add3A_17 : i32
    "tpu.region"() ({
      %run_scoped3A = tpu.sem_alloc : memref<!tpu.dma_semaphore, #tpu.memory_space<semaphore_mem>>
      %dma_start3A = arith.constant 0 : i32
      %dma_start3A_63 = arith.constant 0 : i32
      %dma_start3A_64 = tpu.memref_slice %arg8[%dma_start3A, %dma_start3A_63] : memref<128x128xf32, #tpu.memory_space<vmem>> -> memref<128x128xf32, #tpu.memory_space<vmem>>
      %dma_start3A_65 = arith.constant 0 : i32
      %dma_start3A_66 = tpu.memref_slice %arg9[%add3A_18, %dma_start3A_65] : memref<10240x128xf32, #tpu.memory_space<vmem_shared>> -> memref<128x128xf32, #tpu.memory_space<vmem_shared>>
      %dma_start3A_67 = arith.constant 0 : i32
      %dma_start3A_68 = tpu.memref_slice %arg9[%add3A_18, %dma_start3A_67] : memref<10240x128xf32, #tpu.memory_space<vmem_shared>> -> memref<128x128xf32, #tpu.memory_space<vmem_shared>>
      %dma_start3A_69 = arith.constant 0 : i32
      %dma_start3A_70 = arith.constant 0 : i32
      %dma_start3A_71 = tpu.memref_slice %arg8[%dma_start3A_69, %dma_start3A_70] : memref<128x128xf32, #tpu.memory_space<vmem>> -> memref<128x128xf32, #tpu.memory_space<vmem>>
      tpu.enqueue_dma source(%dma_start3A_71 : memref<128x128xf32, #tpu.memory_space<vmem>>) target(%dma_start3A_68 : memref<128x128xf32, #tpu.memory_space<vmem_shared>>) target_semaphore(%run_scoped3A : memref<!tpu.dma_semaphore, #tpu.memory_space<semaphore_mem>>)
      %dma_wait3A = arith.constant 0 : i32
      %dma_wait3A_72 = arith.constant 0 : i32
      %dma_wait3A_73 = tpu.memref_slice %arg8[%dma_wait3A, %dma_wait3A_72] : memref<128x128xf32, #tpu.memory_space<vmem>> -> memref<128x128xf32, #tpu.memory_space<vmem>>
      %dma_wait3A_74 = arith.constant 0 : i32
      %dma_wait3A_75 = tpu.memref_slice %arg9[%add3A_18, %dma_wait3A_74] : memref<10240x128xf32, #tpu.memory_space<vmem_shared>> -> memref<128x128xf32, #tpu.memory_space<vmem_shared>>
      %dma_wait3A_76 = arith.constant 0 : i32
      %dma_wait3A_77 = tpu.memref_slice %arg9[%add3A_18, %dma_wait3A_76] : memref<10240x128xf32, #tpu.memory_space<vmem_shared>> -> memref<128x128xf32, #tpu.memory_space<vmem_shared>>
      %dma_wait3A_78 = arith.constant 0 : i32
      %dma_wait3A_79 = arith.constant 0 : i32
      %dma_wait3A_80 = tpu.memref_slice %arg8[%dma_wait3A_78, %dma_wait3A_79] : memref<128x128xf32, #tpu.memory_space<vmem>> -> memref<128x128xf32, #tpu.memory_space<vmem>>
      tpu.wait_dma2 semaphore(%run_scoped3A : memref<!tpu.dma_semaphore, #tpu.memory_space<semaphore_mem>>) src(%dma_wait3A_80 : memref<128x128xf32, #tpu.memory_space<vmem>>) dst(%dma_wait3A_77 : memref<128x128xf32, #tpu.memory_space<vmem_shared>>)
      tpu.yield
    }) : () -> ()
    %mul3A_19 = arith.constant 640 : i32
    %mul3A_20 = arith.muli %arg1, %mul3A_19 : i32
    %add3A_21 = arith.constant 384 : i32
    %add3A_22 = arith.addi %mul3A_20, %add3A_21 : i32
    "tpu.region"() ({
      %run_scoped3A = tpu.sem_alloc : memref<!tpu.dma_semaphore, #tpu.memory_space<semaphore_mem>>
      %dma_start3A = arith.constant 0 : i32
      %dma_start3A_63 = arith.constant 0 : i32
      %dma_start3A_64 = tpu.memref_slice %arg8[%dma_start3A, %dma_start3A_63] : memref<128x128xf32, #tpu.memory_space<vmem>> -> memref<128x128xf32, #tpu.memory_space<vmem>>
      %dma_start3A_65 = arith.constant 0 : i32
      %dma_start3A_66 = tpu.memref_slice %arg9[%add3A_22, %dma_start3A_65] : memref<10240x128xf32, #tpu.memory_space<vmem_shared>> -> memref<128x128xf32, #tpu.memory_space<vmem_shared>>
      %dma_start3A_67 = arith.constant 0 : i32
      %dma_start3A_68 = tpu.memref_slice %arg9[%add3A_22, %dma_start3A_67] : memref<10240x128xf32, #tpu.memory_space<vmem_shared>> -> memref<128x128xf32, #tpu.memory_space<vmem_shared>>
      %dma_start3A_69 = arith.constant 0 : i32
      %dma_start3A_70 = arith.constant 0 : i32
      %dma_start3A_71 = tpu.memref_slice %arg8[%dma_start3A_69, %dma_start3A_70] : memref<128x128xf32, #tpu.memory_space<vmem>> -> memref<128x128xf32, #tpu.memory_space<vmem>>
      tpu.enqueue_dma source(%dma_start3A_71 : memref<128x128xf32, #tpu.memory_space<vmem>>) target(%dma_start3A_68 : memref<128x128xf32, #tpu.memory_space<vmem_shared>>) target_semaphore(%run_scoped3A : memref<!tpu.dma_semaphore, #tpu.memory_space<semaphore_mem>>)
      %dma_wait3A = arith.constant 0 : i32
      %dma_wait3A_72 = arith.constant 0 : i32
      %dma_wait3A_73 = tpu.memref_slice %arg8[%dma_wait3A, %dma_wait3A_72] : memref<128x128xf32, #tpu.memory_space<vmem>> -> memref<128x128xf32, #tpu.memory_space<vmem>>
      %dma_wait3A_74 = arith.constant 0 : i32
      %dma_wait3A_75 = tpu.memref_slice %arg9[%add3A_22, %dma_wait3A_74] : memref<10240x128xf32, #tpu.memory_space<vmem_shared>> -> memref<128x128xf32, #tpu.memory_space<vmem_shared>>
      %dma_wait3A_76 = arith.constant 0 : i32
      %dma_wait3A_77 = tpu.memref_slice %arg9[%add3A_22, %dma_wait3A_76] : memref<10240x128xf32, #tpu.memory_space<vmem_shared>> -> memref<128x128xf32, #tpu.memory_space<vmem_shared>>
      %dma_wait3A_78 = arith.constant 0 : i32
      %dma_wait3A_79 = arith.constant 0 : i32
      %dma_wait3A_80 = tpu.memref_slice %arg8[%dma_wait3A_78, %dma_wait3A_79] : memref<128x128xf32, #tpu.memory_space<vmem>> -> memref<128x128xf32, #tpu.memory_space<vmem>>
      tpu.wait_dma2 semaphore(%run_scoped3A : memref<!tpu.dma_semaphore, #tpu.memory_space<semaphore_mem>>) src(%dma_wait3A_80 : memref<128x128xf32, #tpu.memory_space<vmem>>) dst(%dma_wait3A_77 : memref<128x128xf32, #tpu.memory_space<vmem_shared>>)
      tpu.yield
    }) : () -> ()
    %mul3A_23 = arith.constant 640 : i32
    %mul3A_24 = arith.muli %arg1, %mul3A_23 : i32
    %add3A_25 = arith.constant 512 : i32
    %add3A_26 = arith.addi %mul3A_24, %add3A_25 : i32
    "tpu.region"() ({
      %run_scoped3A = tpu.sem_alloc : memref<!tpu.dma_semaphore, #tpu.memory_space<semaphore_mem>>
      %dma_start3A = arith.constant 0 : i32
      %dma_start3A_63 = arith.constant 0 : i32
      %dma_start3A_64 = tpu.memref_slice %arg8[%dma_start3A, %dma_start3A_63] : memref<128x128xf32, #tpu.memory_space<vmem>> -> memref<128x128xf32, #tpu.memory_space<vmem>>
      %dma_start3A_65 = arith.constant 0 : i32
      %dma_start3A_66 = tpu.memref_slice %arg9[%add3A_26, %dma_start3A_65] : memref<10240x128xf32, #tpu.memory_space<vmem_shared>> -> memref<128x128xf32, #tpu.memory_space<vmem_shared>>
      %dma_start3A_67 = arith.constant 0 : i32
      %dma_start3A_68 = tpu.memref_slice %arg9[%add3A_26, %dma_start3A_67] : memref<10240x128xf32, #tpu.memory_space<vmem_shared>> -> memref<128x128xf32, #tpu.memory_space<vmem_shared>>
      %dma_start3A_69 = arith.constant 0 : i32
      %dma_start3A_70 = arith.constant 0 : i32
      %dma_start3A_71 = tpu.memref_slice %arg8[%dma_start3A_69, %dma_start3A_70] : memref<128x128xf32, #tpu.memory_space<vmem>> -> memref<128x128xf32, #tpu.memory_space<vmem>>
      tpu.enqueue_dma source(%dma_start3A_71 : memref<128x128xf32, #tpu.memory_space<vmem>>) target(%dma_start3A_68 : memref<128x128xf32, #tpu.memory_space<vmem_shared>>) target_semaphore(%run_scoped3A : memref<!tpu.dma_semaphore, #tpu.memory_space<semaphore_mem>>)
      %dma_wait3A = arith.constant 0 : i32
      %dma_wait3A_72 = arith.constant 0 : i32
      %dma_wait3A_73 = tpu.memref_slice %arg8[%dma_wait3A, %dma_wait3A_72] : memref<128x128xf32, #tpu.memory_space<vmem>> -> memref<128x128xf32, #tpu.memory_space<vmem>>
      %dma_wait3A_74 = arith.constant 0 : i32
      %dma_wait3A_75 = tpu.memref_slice %arg9[%add3A_26, %dma_wait3A_74] : memref<10240x128xf32, #tpu.memory_space<vmem_shared>> -> memref<128x128xf32, #tpu.memory_space<vmem_shared>>
      %dma_wait3A_76 = arith.constant 0 : i32
      %dma_wait3A_77 = tpu.memref_slice %arg9[%add3A_26, %dma_wait3A_76] : memref<10240x128xf32, #tpu.memory_space<vmem_shared>> -> memref<128x128xf32, #tpu.memory_space<vmem_shared>>
      %dma_wait3A_78 = arith.constant 0 : i32
      %dma_wait3A_79 = arith.constant 0 : i32
      %dma_wait3A_80 = tpu.memref_slice %arg8[%dma_wait3A_78, %dma_wait3A_79] : memref<128x128xf32, #tpu.memory_space<vmem>> -> memref<128x128xf32, #tpu.memory_space<vmem>>
      tpu.wait_dma2 semaphore(%run_scoped3A : memref<!tpu.dma_semaphore, #tpu.memory_space<semaphore_mem>>) src(%dma_wait3A_80 : memref<128x128xf32, #tpu.memory_space<vmem>>) dst(%dma_wait3A_77 : memref<128x128xf32, #tpu.memory_space<vmem_shared>>)
      tpu.yield
    }) : () -> ()
    %barrier3A = arith.constant 0 : index
    tpu.barrier barrier_id(%barrier3A)
    %mul3A_27 = arith.constant 80 : i32
    %mul3A_28 = arith.muli %add3A, %mul3A_27 : i32
    %mul3A_29 = arith.constant 128 : i32
    %mul3A_30 = arith.muli %mul3A_28, %mul3A_29 : i32
    %scan3A_31 = arith.constant 0 : i32
    %scan3A_32 = arith.constant 0 : i32
    %scan3A_33 = arith.constant 80 : i32
    %scan3A_34 = arith.addi %scan3A_32, %scan3A_33 : i32
    %scan3A_35 = arith.constant 1 : i32
    %scan3A_36 = scf.for %scan3A_63 = %scan3A_32 to %scan3A_34 step %scan3A_35 iter_args(%scan3A_64 = %scan3A_31) -> (i32)  : i32 {
      %mul3A_65 = arith.constant 128 : i32
      %mul3A_66 = arith.muli %scan3A_63, %mul3A_65 : i32
      %add3A_67 = arith.addi %mul3A_30, %mul3A_66 : i32
      %multiple_of3A_68 = tpu.assume_multiple %add3A_67, 128 : i32
      "tpu.region"() ({
        %run_scoped3A = tpu.sem_alloc : memref<!tpu.dma_semaphore, #tpu.memory_space<semaphore_mem>>
        %dma_start3A_74 = tpu.memref_slice %arg3[%multiple_of3A_68] : memref<327680xi32, #tpu.memory_space<hbm>> -> memref<128xi32, #tpu.memory_space<hbm>>
        %dma_start3A_75 = tpu.memref_slice %arg3[%multiple_of3A_68] : memref<327680xi32, #tpu.memory_space<hbm>> -> memref<128xi32, #tpu.memory_space<hbm>>
        tpu.enqueue_dma source(%dma_start3A_75 : memref<128xi32, #tpu.memory_space<hbm>>) target(%arg6 : memref<128xi32, #tpu.memory_space<vmem>>) target_semaphore(%run_scoped3A : memref<!tpu.dma_semaphore, #tpu.memory_space<semaphore_mem>>)
        %dma_wait3A_76 = tpu.memref_slice %arg3[%multiple_of3A_68] : memref<327680xi32, #tpu.memory_space<hbm>> -> memref<128xi32, #tpu.memory_space<hbm>>
        %dma_wait3A_77 = tpu.memref_slice %arg3[%multiple_of3A_68] : memref<327680xi32, #tpu.memory_space<hbm>> -> memref<128xi32, #tpu.memory_space<hbm>>
        tpu.wait_dma2 semaphore(%run_scoped3A : memref<!tpu.dma_semaphore, #tpu.memory_space<semaphore_mem>>) src(%dma_wait3A_77 : memref<128xi32, #tpu.memory_space<hbm>>) dst(%arg6 : memref<128xi32, #tpu.memory_space<vmem>>)
        tpu.yield
      }) : () -> ()
      "tpu.region"() ({
        %run_scoped3A = tpu.sem_alloc : memref<!tpu.dma_semaphore, #tpu.memory_space<semaphore_mem>>
        %dma_start3A_74 = tpu.memref_slice %arg4[%multiple_of3A_68] : memref<327680xi32, #tpu.memory_space<hbm>> -> memref<128xi32, #tpu.memory_space<hbm>>
        %dma_start3A_75 = tpu.memref_slice %arg4[%multiple_of3A_68] : memref<327680xi32, #tpu.memory_space<hbm>> -> memref<128xi32, #tpu.memory_space<hbm>>
        tpu.enqueue_dma source(%dma_start3A_75 : memref<128xi32, #tpu.memory_space<hbm>>) target(%arg7 : memref<128xi32, #tpu.memory_space<vmem>>) target_semaphore(%run_scoped3A : memref<!tpu.dma_semaphore, #tpu.memory_space<semaphore_mem>>)
        %dma_wait3A_76 = tpu.memref_slice %arg4[%multiple_of3A_68] : memref<327680xi32, #tpu.memory_space<hbm>> -> memref<128xi32, #tpu.memory_space<hbm>>
        %dma_wait3A_77 = tpu.memref_slice %arg4[%multiple_of3A_68] : memref<327680xi32, #tpu.memory_space<hbm>> -> memref<128xi32, #tpu.memory_space<hbm>>
        tpu.wait_dma2 semaphore(%run_scoped3A : memref<!tpu.dma_semaphore, #tpu.memory_space<semaphore_mem>>) src(%dma_wait3A_77 : memref<128xi32, #tpu.memory_space<hbm>>) dst(%arg7 : memref<128xi32, #tpu.memory_space<vmem>>)
        tpu.yield
      }) : () -> ()
      %dma_start3A = arith.constant 0 : i32
      %dma_start3A_69 = arith.constant 0 : i32
      %dma_start3A_70 = tpu.memref_slice %arg2[%dma_start3A, %dma_start3A_69] : memref<10240x128xf32, #tpu.memory_space<hbm>> -> memref<10240x128xf32, #tpu.memory_space<hbm>>
      tpu.enqueue_indirect_dma source(%dma_start3A_70 : memref<10240x128xf32, #tpu.memory_space<hbm>>) target(%arg8 : memref<128x128xf32, #tpu.memory_space<vmem>>) offsets(%arg6 : memref<128xi32, #tpu.memory_space<vmem>>) semaphore(%arg10 : memref<!tpu.dma_semaphore, #tpu.memory_space<semaphore_mem>>)
      %dma_wait3A = arith.constant 0 : i32
      %dma_wait3A_71 = arith.constant 0 : i32
      %dma_wait3A_72 = tpu.memref_slice %arg2[%dma_wait3A, %dma_wait3A_71] : memref<10240x128xf32, #tpu.memory_space<hbm>> -> memref<10240x128xf32, #tpu.memory_space<hbm>>
      tpu.wait_indirect_dma semaphore(%arg10 : memref<!tpu.dma_semaphore, #tpu.memory_space<semaphore_mem>>) src(%dma_wait3A_72 : memref<10240x128xf32, #tpu.memory_space<hbm>>) dst(%arg8 : memref<128x128xf32, #tpu.memory_space<vmem>>)
      "tpu.region"() ({
        %run_scoped3A = tpu.sem_alloc : memref<!tpu.dma_semaphore, #tpu.memory_space<semaphore_mem>>
        %dma_start3A_74 = arith.constant 0 : i32
        %dma_start3A_75 = arith.constant 0 : i32
        %dma_start3A_76 = tpu.memref_slice %arg9[%dma_start3A_74, %dma_start3A_75] : memref<10240x128xf32, #tpu.memory_space<vmem_shared>> -> memref<10240x128xf32, #tpu.memory_space<vmem_shared>>
        tpu.enqueue_indirect_dma source(%arg8 : memref<128x128xf32, #tpu.memory_space<vmem>>) target(%dma_start3A_76 : memref<10240x128xf32, #tpu.memory_space<vmem_shared>>) offsets(%arg7 : memref<128xi32, #tpu.memory_space<vmem>>) semaphore(%run_scoped3A : memref<!tpu.dma_semaphore, #tpu.memory_space<semaphore_mem>>) {add = true}
        %dma_wait3A_77 = arith.constant 0 : i32
        %dma_wait3A_78 = arith.constant 0 : i32
        %dma_wait3A_79 = tpu.memref_slice %arg9[%dma_wait3A_77, %dma_wait3A_78] : memref<10240x128xf32, #tpu.memory_space<vmem_shared>> -> memref<10240x128xf32, #tpu.memory_space<vmem_shared>>
        tpu.wait_indirect_dma semaphore(%run_scoped3A : memref<!tpu.dma_semaphore, #tpu.memory_space<semaphore_mem>>) src(%arg8 : memref<128x128xf32, #tpu.memory_space<vmem>>) dst(%dma_wait3A_79 : memref<10240x128xf32, #tpu.memory_space<vmem_shared>>)
        tpu.yield
      }) : () -> ()
      %scan3A_73 = arith.constant 0 : i32
      scf.yield %scan3A_73 : i32
    }
    %scan3A_37 = arith.constant 80 : i32
    %barrier3A_38 = arith.constant 0 : index
    tpu.barrier barrier_id(%barrier3A_38)
    %mul3A_39 = arith.constant 640 : i32
    %mul3A_40 = arith.muli %arg1, %mul3A_39 : i32
    %add3A_41 = arith.constant 0 : i32
    %add3A_42 = arith.addi %mul3A_40, %add3A_41 : i32
    %multiple_of3A = tpu.assume_multiple %add3A_42, 32 : i32
    "tpu.region"() ({
      %run_scoped3A = tpu.sem_alloc : memref<!tpu.dma_semaphore, #tpu.memory_space<semaphore_mem>>
      %dma_start3A = arith.constant 0 : i32
      %dma_start3A_63 = tpu.memref_slice %arg5[%arg0, %multiple_of3A, %dma_start3A] : memref<2x10240x128xf32, #tpu.memory_space<hbm>> -> memref<1x128x128xf32, #tpu.memory_space<hbm>>
      %dma_start3A_64 = tpu.memref_squeeze %dma_start3A_63 : memref<1x128x128xf32, #tpu.memory_space<hbm>> -> memref<128x128xf32, #tpu.memory_space<hbm>>
      %dma_start3A_65 = arith.constant 0 : i32
      %dma_start3A_66 = tpu.memref_slice %arg9[%multiple_of3A, %dma_start3A_65] : memref<10240x128xf32, #tpu.memory_space<vmem_shared>> -> memref<128x128xf32, #tpu.memory_space<vmem_shared>>
      tpu.enqueue_dma source(%dma_start3A_66 : memref<128x128xf32, #tpu.memory_space<vmem_shared>>) target(%dma_start3A_64 : memref<128x128xf32, #tpu.memory_space<hbm>>) target_semaphore(%run_scoped3A : memref<!tpu.dma_semaphore, #tpu.memory_space<semaphore_mem>>)
      %dma_wait3A = arith.constant 0 : i32
      %dma_wait3A_67 = tpu.memref_slice %arg5[%arg0, %multiple_of3A, %dma_wait3A] : memref<2x10240x128xf32, #tpu.memory_space<hbm>> -> memref<1x128x128xf32, #tpu.memory_space<hbm>>
      %dma_wait3A_68 = tpu.memref_squeeze %dma_wait3A_67 : memref<1x128x128xf32, #tpu.memory_space<hbm>> -> memref<128x128xf32, #tpu.memory_space<hbm>>
      %dma_wait3A_69 = arith.constant 0 : i32
      %dma_wait3A_70 = tpu.memref_slice %arg9[%multiple_of3A, %dma_wait3A_69] : memref<10240x128xf32, #tpu.memory_space<vmem_shared>> -> memref<128x128xf32, #tpu.memory_space<vmem_shared>>
      tpu.wait_dma2 semaphore(%run_scoped3A : memref<!tpu.dma_semaphore, #tpu.memory_space<semaphore_mem>>) src(%dma_wait3A_70 : memref<128x128xf32, #tpu.memory_space<vmem_shared>>) dst(%dma_wait3A_68 : memref<128x128xf32, #tpu.memory_space<hbm>>)
      tpu.yield
    }) : () -> ()
    %mul3A_43 = arith.constant 640 : i32
    %mul3A_44 = arith.muli %arg1, %mul3A_43 : i32
    %add3A_45 = arith.constant 128 : i32
    %add3A_46 = arith.addi %mul3A_44, %add3A_45 : i32
    %multiple_of3A_47 = tpu.assume_multiple %add3A_46, 32 : i32
    "tpu.region"() ({
      %run_scoped3A = tpu.sem_alloc : memref<!tpu.dma_semaphore, #tpu.memory_space<semaphore_mem>>
      %dma_start3A = arith.constant 0 : i32
      %dma_start3A_63 = tpu.memref_slice %arg5[%arg0, %multiple_of3A_47, %dma_start3A] : memref<2x10240x128xf32, #tpu.memory_space<hbm>> -> memref<1x128x128xf32, #tpu.memory_space<hbm>>
      %dma_start3A_64 = tpu.memref_squeeze %dma_start3A_63 : memref<1x128x128xf32, #tpu.memory_space<hbm>> -> memref<128x128xf32, #tpu.memory_space<hbm>>
      %dma_start3A_65 = arith.constant 0 : i32
      %dma_start3A_66 = tpu.memref_slice %arg9[%multiple_of3A_47, %dma_start3A_65] : memref<10240x128xf32, #tpu.memory_space<vmem_shared>> -> memref<128x128xf32, #tpu.memory_space<vmem_shared>>
      tpu.enqueue_dma source(%dma_start3A_66 : memref<128x128xf32, #tpu.memory_space<vmem_shared>>) target(%dma_start3A_64 : memref<128x128xf32, #tpu.memory_space<hbm>>) target_semaphore(%run_scoped3A : memref<!tpu.dma_semaphore, #tpu.memory_space<semaphore_mem>>)
      %dma_wait3A = arith.constant 0 : i32
      %dma_wait3A_67 = tpu.memref_slice %arg5[%arg0, %multiple_of3A_47, %dma_wait3A] : memref<2x10240x128xf32, #tpu.memory_space<hbm>> -> memref<1x128x128xf32, #tpu.memory_space<hbm>>
      %dma_wait3A_68 = tpu.memref_squeeze %dma_wait3A_67 : memref<1x128x128xf32, #tpu.memory_space<hbm>> -> memref<128x128xf32, #tpu.memory_space<hbm>>
      %dma_wait3A_69 = arith.constant 0 : i32
      %dma_wait3A_70 = tpu.memref_slice %arg9[%multiple_of3A_47, %dma_wait3A_69] : memref<10240x128xf32, #tpu.memory_space<vmem_shared>> -> memref<128x128xf32, #tpu.memory_space<vmem_shared>>
      tpu.wait_dma2 semaphore(%run_scoped3A : memref<!tpu.dma_semaphore, #tpu.memory_space<semaphore_mem>>) src(%dma_wait3A_70 : memref<128x128xf32, #tpu.memory_space<vmem_shared>>) dst(%dma_wait3A_68 : memref<128x128xf32, #tpu.memory_space<hbm>>)
      tpu.yield
    }) : () -> ()
    %mul3A_48 = arith.constant 640 : i32
    %mul3A_49 = arith.muli %arg1, %mul3A_48 : i32
    %add3A_50 = arith.constant 256 : i32
    %add3A_51 = arith.addi %mul3A_49, %add3A_50 : i32
    %multiple_of3A_52 = tpu.assume_multiple %add3A_51, 32 : i32
    "tpu.region"() ({
      %run_scoped3A = tpu.sem_alloc : memref<!tpu.dma_semaphore, #tpu.memory_space<semaphore_mem>>
      %dma_start3A = arith.constant 0 : i32
      %dma_start3A_63 = tpu.memref_slice %arg5[%arg0, %multiple_of3A_52, %dma_start3A] : memref<2x10240x128xf32, #tpu.memory_space<hbm>> -> memref<1x128x128xf32, #tpu.memory_space<hbm>>
      %dma_start3A_64 = tpu.memref_squeeze %dma_start3A_63 : memref<1x128x128xf32, #tpu.memory_space<hbm>> -> memref<128x128xf32, #tpu.memory_space<hbm>>
      %dma_start3A_65 = arith.constant 0 : i32
      %dma_start3A_66 = tpu.memref_slice %arg9[%multiple_of3A_52, %dma_start3A_65] : memref<10240x128xf32, #tpu.memory_space<vmem_shared>> -> memref<128x128xf32, #tpu.memory_space<vmem_shared>>
      tpu.enqueue_dma source(%dma_start3A_66 : memref<128x128xf32, #tpu.memory_space<vmem_shared>>) target(%dma_start3A_64 : memref<128x128xf32, #tpu.memory_space<hbm>>) target_semaphore(%run_scoped3A : memref<!tpu.dma_semaphore, #tpu.memory_space<semaphore_mem>>)
      %dma_wait3A = arith.constant 0 : i32
      %dma_wait3A_67 = tpu.memref_slice %arg5[%arg0, %multiple_of3A_52, %dma_wait3A] : memref<2x10240x128xf32, #tpu.memory_space<hbm>> -> memref<1x128x128xf32, #tpu.memory_space<hbm>>
      %dma_wait3A_68 = tpu.memref_squeeze %dma_wait3A_67 : memref<1x128x128xf32, #tpu.memory_space<hbm>> -> memref<128x128xf32, #tpu.memory_space<hbm>>
      %dma_wait3A_69 = arith.constant 0 : i32
      %dma_wait3A_70 = tpu.memref_slice %arg9[%multiple_of3A_52, %dma_wait3A_69] : memref<10240x128xf32, #tpu.memory_space<vmem_shared>> -> memref<128x128xf32, #tpu.memory_space<vmem_shared>>
      tpu.wait_dma2 semaphore(%run_scoped3A : memref<!tpu.dma_semaphore, #tpu.memory_space<semaphore_mem>>) src(%dma_wait3A_70 : memref<128x128xf32, #tpu.memory_space<vmem_shared>>) dst(%dma_wait3A_68 : memref<128x128xf32, #tpu.memory_space<hbm>>)
      tpu.yield
    }) : () -> ()
    %mul3A_53 = arith.constant 640 : i32
    %mul3A_54 = arith.muli %arg1, %mul3A_53 : i32
    %add3A_55 = arith.constant 384 : i32
    %add3A_56 = arith.addi %mul3A_54, %add3A_55 : i32
    %multiple_of3A_57 = tpu.assume_multiple %add3A_56, 32 : i32
    "tpu.region"() ({
      %run_scoped3A = tpu.sem_alloc : memref<!tpu.dma_semaphore, #tpu.memory_space<semaphore_mem>>
      %dma_start3A = arith.constant 0 : i32
      %dma_start3A_63 = tpu.memref_slice %arg5[%arg0, %multiple_of3A_57, %dma_start3A] : memref<2x10240x128xf32, #tpu.memory_space<hbm>> -> memref<1x128x128xf32, #tpu.memory_space<hbm>>
      %dma_start3A_64 = tpu.memref_squeeze %dma_start3A_63 : memref<1x128x128xf32, #tpu.memory_space<hbm>> -> memref<128x128xf32, #tpu.memory_space<hbm>>
      %dma_start3A_65 = arith.constant 0 : i32
      %dma_start3A_66 = tpu.memref_slice %arg9[%multiple_of3A_57, %dma_start3A_65] : memref<10240x128xf32, #tpu.memory_space<vmem_shared>> -> memref<128x128xf32, #tpu.memory_space<vmem_shared>>
      tpu.enqueue_dma source(%dma_start3A_66 : memref<128x128xf32, #tpu.memory_space<vmem_shared>>) target(%dma_start3A_64 : memref<128x128xf32, #tpu.memory_space<hbm>>) target_semaphore(%run_scoped3A : memref<!tpu.dma_semaphore, #tpu.memory_space<semaphore_mem>>)
      %dma_wait3A = arith.constant 0 : i32
      %dma_wait3A_67 = tpu.memref_slice %arg5[%arg0, %multiple_of3A_57, %dma_wait3A] : memref<2x10240x128xf32, #tpu.memory_space<hbm>> -> memref<1x128x128xf32, #tpu.memory_space<hbm>>
      %dma_wait3A_68 = tpu.memref_squeeze %dma_wait3A_67 : memref<1x128x128xf32, #tpu.memory_space<hbm>> -> memref<128x128xf32, #tpu.memory_space<hbm>>
      %dma_wait3A_69 = arith.constant 0 : i32
      %dma_wait3A_70 = tpu.memref_slice %arg9[%multiple_of3A_57, %dma_wait3A_69] : memref<10240x128xf32, #tpu.memory_space<vmem_shared>> -> memref<128x128xf32, #tpu.memory_space<vmem_shared>>
      tpu.wait_dma2 semaphore(%run_scoped3A : memref<!tpu.dma_semaphore, #tpu.memory_space<semaphore_mem>>) src(%dma_wait3A_70 : memref<128x128xf32, #tpu.memory_space<vmem_shared>>) dst(%dma_wait3A_68 : memref<128x128xf32, #tpu.memory_space<hbm>>)
      tpu.yield
    }) : () -> ()
    %mul3A_58 = arith.constant 640 : i32
    %mul3A_59 = arith.muli %arg1, %mul3A_58 : i32
    %add3A_60 = arith.constant 512 : i32
    %add3A_61 = arith.addi %mul3A_59, %add3A_60 : i32
    %multiple_of3A_62 = tpu.assume_multiple %add3A_61, 32 : i32
    "tpu.region"() ({
      %run_scoped3A = tpu.sem_alloc : memref<!tpu.dma_semaphore, #tpu.memory_space<semaphore_mem>>
      %dma_start3A = arith.constant 0 : i32
      %dma_start3A_63 = tpu.memref_slice %arg5[%arg0, %multiple_of3A_62, %dma_start3A] : memref<2x10240x128xf32, #tpu.memory_space<hbm>> -> memref<1x128x128xf32, #tpu.memory_space<hbm>>
      %dma_start3A_64 = tpu.memref_squeeze %dma_start3A_63 : memref<1x128x128xf32, #tpu.memory_space<hbm>> -> memref<128x128xf32, #tpu.memory_space<hbm>>
      %dma_start3A_65 = arith.constant 0 : i32
      %dma_start3A_66 = tpu.memref_slice %arg9[%multiple_of3A_62, %dma_start3A_65] : memref<10240x128xf32, #tpu.memory_space<vmem_shared>> -> memref<128x128xf32, #tpu.memory_space<vmem_shared>>
      tpu.enqueue_dma source(%dma_start3A_66 : memref<128x128xf32, #tpu.memory_space<vmem_shared>>) target(%dma_start3A_64 : memref<128x128xf32, #tpu.memory_space<hbm>>) target_semaphore(%run_scoped3A : memref<!tpu.dma_semaphore, #tpu.memory_space<semaphore_mem>>)
      %dma_wait3A = arith.constant 0 : i32
      %dma_wait3A_67 = tpu.memref_slice %arg5[%arg0, %multiple_of3A_62, %dma_wait3A] : memref<2x10240x128xf32, #tpu.memory_space<hbm>> -> memref<1x128x128xf32, #tpu.memory_space<hbm>>
      %dma_wait3A_68 = tpu.memref_squeeze %dma_wait3A_67 : memref<1x128x128xf32, #tpu.memory_space<hbm>> -> memref<128x128xf32, #tpu.memory_space<hbm>>
      %dma_wait3A_69 = arith.constant 0 : i32
      %dma_wait3A_70 = tpu.memref_slice %arg9[%multiple_of3A_62, %dma_wait3A_69] : memref<10240x128xf32, #tpu.memory_space<vmem_shared>> -> memref<128x128xf32, #tpu.memory_space<vmem_shared>>
      tpu.wait_dma2 semaphore(%run_scoped3A : memref<!tpu.dma_semaphore, #tpu.memory_space<semaphore_mem>>) src(%dma_wait3A_70 : memref<128x128xf32, #tpu.memory_space<vmem_shared>>) dst(%dma_wait3A_68 : memref<128x128xf32, #tpu.memory_space<hbm>>)
      tpu.yield
    }) : () -> ()
    return
  }
}

#map = affine_map<(d0, d1) -> (0, 0)>
#map1 = affine_map<(d0, d1) -> (0)>
#map2 = affine_map<(d0, d1) -> (0, 0, 0)>
module attributes {stable_mosaic.version = 14 : i64} {
  func.func @agg_kernel(%arg0: i32, %arg1: i32, %arg2: memref<10240x128xf32, #tpu.memory_space<hbm>>, %arg3: memref<327680xi32, #tpu.memory_space<hbm>>, %arg4: memref<327680xi32, #tpu.memory_space<hbm>>, %arg5: memref<2x10240x128xf32, #tpu.memory_space<hbm>>, %arg6: memref<128xi32, #tpu.memory_space<vmem>>, %arg7: memref<128xi32, #tpu.memory_space<vmem>>, %arg8: memref<128x128xf32, #tpu.memory_space<vmem>>, %arg9: memref<10240x128xf32, #tpu.memory_space<vmem_shared>>, %arg10: memref<!tpu.dma_semaphore, #tpu.memory_space<semaphore_mem>>) attributes {dimension_semantics = [#tpu.dimension_semantics<core_parallel>, #tpu.dimension_semantics<subcore_parallel>], iteration_bounds = array<i64: 2, 16>, scalar_prefetch = 0 : i64, scratch_operands = 5 : i64, tpu.core_type = #tpu.core_type<sc_vector_subcore>, window_params = [{transform_indices = #map}, {transform_indices = #map1}, {transform_indices = #map1}, {transform_indices = #map2}]} {
    %mul3A = arith.constant 16 : i32
    %mul3A_0 = arith.muli %arg0, %mul3A : i32
    %add3A = arith.addi %mul3A_0, %arg1 : i32
    %scan3A = arith.constant 0 : i32
    %scan3A_1 = arith.constant 0 : i32
    %scan3A_2 = arith.constant 128 : i32
    %scan3A_3 = arith.addi %scan3A_1, %scan3A_2 : i32
    %scan3A_4 = arith.constant 1 : i32
    %scan3A_5 = scf.for %scan3A_63 = %scan3A_1 to %scan3A_3 step %scan3A_4 iter_args(%scan3A_64 = %scan3A) -> (i32)  : i32 {
      %scan3A_65 = arith.constant 0 : i32
      %scan3A_66 = arith.constant 0 : i32
      %scan3A_67 = arith.constant 8 : i32
      %scan3A_68 = arith.addi %scan3A_66, %scan3A_67 : i32
      %scan3A_69 = arith.constant 1 : i32
      %scan3A_70 = scf.for %scan3A_73 = %scan3A_66 to %scan3A_68 step %scan3A_69 iter_args(%scan3A_74 = %scan3A_65) -> (i32)  : i32 {
        %broadcast_in_dim3A = arith.constant 0.000000e+00 : f32
        %broadcast_in_dim3A_75 = vector.broadcast %broadcast_in_dim3A : f32 to vector<16xf32>
        %mul3A_76 = arith.constant 16 : i32
        %mul3A_77 = arith.muli %scan3A_73, %mul3A_76 : i32
        %swap3A = arith.index_cast %scan3A_63 : i32 to index
        %swap3A_78 = arith.index_cast %mul3A_77 : i32 to index
        %swap3A_79 = tpu.vector_load %arg8[%swap3A, %swap3A_78] {strides = array<i32>} : memref<128x128xf32, #tpu.memory_space<vmem>>, vector<1x16xf32>,
        %swap3A_80 = vector.shape_cast %swap3A_79 : vector<1x16xf32> to vector<16xf32>
        %swap3A_81 = vector.shape_cast %broadcast_in_dim3A_75 : vector<16xf32> to vector<1x16xf32>
        tpu.vector_store %arg8[%swap3A, %swap3A_78], %swap3A_81 {strides = array<i32>} : memref<128x128xf32, #tpu.memory_space<vmem>>, vector<1x16xf32>,
        %scan3A_82 = arith.constant 0 : i32
        scf.yield %scan3A_82 : i32
      }
      %scan3A_71 = arith.constant 8 : i32
      %scan3A_72 = arith.constant 0 : i32
      scf.yield %scan3A_72 : i32
    }
    %scan3A_6 = arith.constant 128 : i32
    %mul3A_7 = arith.constant 640 : i32
    %mul3A_8 = arith.muli %arg1, %mul3A_7 : i32
    %add3A_9 = arith.constant 0 : i32
    %add3A_10 = arith.addi %mul3A_8, %add3A_9 : i32
    "tpu.region"() ({
      %run_scoped3A = tpu.sem_alloc : memref<!tpu.dma_semaphore, #tpu.memory_space<semaphore_mem>>
      %dma_start3A = arith.constant 0 : i32
      %dma_start3A_63 = arith.constant 0 : i32
      %dma_start3A_64 = tpu.memref_slice %arg8[%dma_start3A, %dma_start3A_63] : memref<128x128xf32, #tpu.memory_space<vmem>> -> memref<128x128xf32, #tpu.memory_space<vmem>>
      %dma_start3A_65 = arith.constant 0 : i32
      %dma_start3A_66 = tpu.memref_slice %arg9[%add3A_10, %dma_start3A_65] : memref<10240x128xf32, #tpu.memory_space<vmem_shared>> -> memref<128x128xf32, #tpu.memory_space<vmem_shared>>
      %dma_start3A_67 = arith.constant 0 : i32
      %dma_start3A_68 = tpu.memref_slice %arg9[%add3A_10, %dma_start3A_67] : memref<10240x128xf32, #tpu.memory_space<vmem_shared>> -> memref<128x128xf32, #tpu.memory_space<vmem_shared>>
      %dma_start3A_69 = arith.constant 0 : i32
      %dma_start3A_70 = arith.constant 0 : i32
      %dma_start3A_71 = tpu.memref_slice %arg8[%dma_start3A_69, %dma_start3A_70] : memref<128x128xf32, #tpu.memory_space<vmem>> -> memref<128x128xf32, #tpu.memory_space<vmem>>
      tpu.enqueue_dma source(%dma_start3A_71 : memref<128x128xf32, #tpu.memory_space<vmem>>) target(%dma_start3A_68 : memref<128x128xf32, #tpu.memory_space<vmem_shared>>) target_semaphore(%run_scoped3A : memref<!tpu.dma_semaphore, #tpu.memory_space<semaphore_mem>>)
      %dma_wait3A = arith.constant 0 : i32
      %dma_wait3A_72 = arith.constant 0 : i32
      %dma_wait3A_73 = tpu.memref_slice %arg8[%dma_wait3A, %dma_wait3A_72] : memref<128x128xf32, #tpu.memory_space<vmem>> -> memref<128x128xf32, #tpu.memory_space<vmem>>
      %dma_wait3A_74 = arith.constant 0 : i32
      %dma_wait3A_75 = tpu.memref_slice %arg9[%add3A_10, %dma_wait3A_74] : memref<10240x128xf32, #tpu.memory_space<vmem_shared>> -> memref<128x128xf32, #tpu.memory_space<vmem_shared>>
      %dma_wait3A_76 = arith.constant 0 : i32
      %dma_wait3A_77 = tpu.memref_slice %arg9[%add3A_10, %dma_wait3A_76] : memref<10240x128xf32, #tpu.memory_space<vmem_shared>> -> memref<128x128xf32, #tpu.memory_space<vmem_shared>>
      %dma_wait3A_78 = arith.constant 0 : i32
      %dma_wait3A_79 = arith.constant 0 : i32
      %dma_wait3A_80 = tpu.memref_slice %arg8[%dma_wait3A_78, %dma_wait3A_79] : memref<128x128xf32, #tpu.memory_space<vmem>> -> memref<128x128xf32, #tpu.memory_space<vmem>>
      tpu.wait_dma2 semaphore(%run_scoped3A : memref<!tpu.dma_semaphore, #tpu.memory_space<semaphore_mem>>) src(%dma_wait3A_80 : memref<128x128xf32, #tpu.memory_space<vmem>>) dst(%dma_wait3A_77 : memref<128x128xf32, #tpu.memory_space<vmem_shared>>)
      tpu.yield
    }) : () -> ()
    %mul3A_11 = arith.constant 640 : i32
    %mul3A_12 = arith.muli %arg1, %mul3A_11 : i32
    %add3A_13 = arith.constant 128 : i32
    %add3A_14 = arith.addi %mul3A_12, %add3A_13 : i32
    "tpu.region"() ({
      %run_scoped3A = tpu.sem_alloc : memref<!tpu.dma_semaphore, #tpu.memory_space<semaphore_mem>>
      %dma_start3A = arith.constant 0 : i32
      %dma_start3A_63 = arith.constant 0 : i32
      %dma_start3A_64 = tpu.memref_slice %arg8[%dma_start3A, %dma_start3A_63] : memref<128x128xf32, #tpu.memory_space<vmem>> -> memref<128x128xf32, #tpu.memory_space<vmem>>
      %dma_start3A_65 = arith.constant 0 : i32
      %dma_start3A_66 = tpu.memref_slice %arg9[%add3A_14, %dma_start3A_65] : memref<10240x128xf32, #tpu.memory_space<vmem_shared>> -> memref<128x128xf32, #tpu.memory_space<vmem_shared>>
      %dma_start3A_67 = arith.constant 0 : i32
      %dma_start3A_68 = tpu.memref_slice %arg9[%add3A_14, %dma_start3A_67] : memref<10240x128xf32, #tpu.memory_space<vmem_shared>> -> memref<128x128xf32, #tpu.memory_space<vmem_shared>>
      %dma_start3A_69 = arith.constant 0 : i32
      %dma_start3A_70 = arith.constant 0 : i32
      %dma_start3A_71 = tpu.memref_slice %arg8[%dma_start3A_69, %dma_start3A_70] : memref<128x128xf32, #tpu.memory_space<vmem>> -> memref<128x128xf32, #tpu.memory_space<vmem>>
      tpu.enqueue_dma source(%dma_start3A_71 : memref<128x128xf32, #tpu.memory_space<vmem>>) target(%dma_start3A_68 : memref<128x128xf32, #tpu.memory_space<vmem_shared>>) target_semaphore(%run_scoped3A : memref<!tpu.dma_semaphore, #tpu.memory_space<semaphore_mem>>)
      %dma_wait3A = arith.constant 0 : i32
      %dma_wait3A_72 = arith.constant 0 : i32
      %dma_wait3A_73 = tpu.memref_slice %arg8[%dma_wait3A, %dma_wait3A_72] : memref<128x128xf32, #tpu.memory_space<vmem>> -> memref<128x128xf32, #tpu.memory_space<vmem>>
      %dma_wait3A_74 = arith.constant 0 : i32
      %dma_wait3A_75 = tpu.memref_slice %arg9[%add3A_14, %dma_wait3A_74] : memref<10240x128xf32, #tpu.memory_space<vmem_shared>> -> memref<128x128xf32, #tpu.memory_space<vmem_shared>>
      %dma_wait3A_76 = arith.constant 0 : i32
      %dma_wait3A_77 = tpu.memref_slice %arg9[%add3A_14, %dma_wait3A_76] : memref<10240x128xf32, #tpu.memory_space<vmem_shared>> -> memref<128x128xf32, #tpu.memory_space<vmem_shared>>
      %dma_wait3A_78 = arith.constant 0 : i32
      %dma_wait3A_79 = arith.constant 0 : i32
      %dma_wait3A_80 = tpu.memref_slice %arg8[%dma_wait3A_78, %dma_wait3A_79] : memref<128x128xf32, #tpu.memory_space<vmem>> -> memref<128x128xf32, #tpu.memory_space<vmem>>
      tpu.wait_dma2 semaphore(%run_scoped3A : memref<!tpu.dma_semaphore, #tpu.memory_space<semaphore_mem>>) src(%dma_wait3A_80 : memref<128x128xf32, #tpu.memory_space<vmem>>) dst(%dma_wait3A_77 : memref<128x128xf32, #tpu.memory_space<vmem_shared>>)
      tpu.yield
    }) : () -> ()
    %mul3A_15 = arith.constant 640 : i32
    %mul3A_16 = arith.muli %arg1, %mul3A_15 : i32
    %add3A_17 = arith.constant 256 : i32
    %add3A_18 = arith.addi %mul3A_16, %add3A_17 : i32
    "tpu.region"() ({
      %run_scoped3A = tpu.sem_alloc : memref<!tpu.dma_semaphore, #tpu.memory_space<semaphore_mem>>
      %dma_start3A = arith.constant 0 : i32
      %dma_start3A_63 = arith.constant 0 : i32
      %dma_start3A_64 = tpu.memref_slice %arg8[%dma_start3A, %dma_start3A_63] : memref<128x128xf32, #tpu.memory_space<vmem>> -> memref<128x128xf32, #tpu.memory_space<vmem>>
      %dma_start3A_65 = arith.constant 0 : i32
      %dma_start3A_66 = tpu.memref_slice %arg9[%add3A_18, %dma_start3A_65] : memref<10240x128xf32, #tpu.memory_space<vmem_shared>> -> memref<128x128xf32, #tpu.memory_space<vmem_shared>>
      %dma_start3A_67 = arith.constant 0 : i32
      %dma_start3A_68 = tpu.memref_slice %arg9[%add3A_18, %dma_start3A_67] : memref<10240x128xf32, #tpu.memory_space<vmem_shared>> -> memref<128x128xf32, #tpu.memory_space<vmem_shared>>
      %dma_start3A_69 = arith.constant 0 : i32
      %dma_start3A_70 = arith.constant 0 : i32
      %dma_start3A_71 = tpu.memref_slice %arg8[%dma_start3A_69, %dma_start3A_70] : memref<128x128xf32, #tpu.memory_space<vmem>> -> memref<128x128xf32, #tpu.memory_space<vmem>>
      tpu.enqueue_dma source(%dma_start3A_71 : memref<128x128xf32, #tpu.memory_space<vmem>>) target(%dma_start3A_68 : memref<128x128xf32, #tpu.memory_space<vmem_shared>>) target_semaphore(%run_scoped3A : memref<!tpu.dma_semaphore, #tpu.memory_space<semaphore_mem>>)
      %dma_wait3A = arith.constant 0 : i32
      %dma_wait3A_72 = arith.constant 0 : i32
      %dma_wait3A_73 = tpu.memref_slice %arg8[%dma_wait3A, %dma_wait3A_72] : memref<128x128xf32, #tpu.memory_space<vmem>> -> memref<128x128xf32, #tpu.memory_space<vmem>>
      %dma_wait3A_74 = arith.constant 0 : i32
      %dma_wait3A_75 = tpu.memref_slice %arg9[%add3A_18, %dma_wait3A_74] : memref<10240x128xf32, #tpu.memory_space<vmem_shared>> -> memref<128x128xf32, #tpu.memory_space<vmem_shared>>
      %dma_wait3A_76 = arith.constant 0 : i32
      %dma_wait3A_77 = tpu.memref_slice %arg9[%add3A_18, %dma_wait3A_76] : memref<10240x128xf32, #tpu.memory_space<vmem_shared>> -> memref<128x128xf32, #tpu.memory_space<vmem_shared>>
      %dma_wait3A_78 = arith.constant 0 : i32
      %dma_wait3A_79 = arith.constant 0 : i32
      %dma_wait3A_80 = tpu.memref_slice %arg8[%dma_wait3A_78, %dma_wait3A_79] : memref<128x128xf32, #tpu.memory_space<vmem>> -> memref<128x128xf32, #tpu.memory_space<vmem>>
      tpu.wait_dma2 semaphore(%run_scoped3A : memref<!tpu.dma_semaphore, #tpu.memory_space<semaphore_mem>>) src(%dma_wait3A_80 : memref<128x128xf32, #tpu.memory_space<vmem>>) dst(%dma_wait3A_77 : memref<128x128xf32, #tpu.memory_space<vmem_shared>>)
      tpu.yield
    }) : () -> ()
    %mul3A_19 = arith.constant 640 : i32
    %mul3A_20 = arith.muli %arg1, %mul3A_19 : i32
    %add3A_21 = arith.constant 384 : i32
    %add3A_22 = arith.addi %mul3A_20, %add3A_21 : i32
    "tpu.region"() ({
      %run_scoped3A = tpu.sem_alloc : memref<!tpu.dma_semaphore, #tpu.memory_space<semaphore_mem>>
      %dma_start3A = arith.constant 0 : i32
      %dma_start3A_63 = arith.constant 0 : i32
      %dma_start3A_64 = tpu.memref_slice %arg8[%dma_start3A, %dma_start3A_63] : memref<128x128xf32, #tpu.memory_space<vmem>> -> memref<128x128xf32, #tpu.memory_space<vmem>>
      %dma_start3A_65 = arith.constant 0 : i32
      %dma_start3A_66 = tpu.memref_slice %arg9[%add3A_22, %dma_start3A_65] : memref<10240x128xf32, #tpu.memory_space<vmem_shared>> -> memref<128x128xf32, #tpu.memory_space<vmem_shared>>
      %dma_start3A_67 = arith.constant 0 : i32
      %dma_start3A_68 = tpu.memref_slice %arg9[%add3A_22, %dma_start3A_67] : memref<10240x128xf32, #tpu.memory_space<vmem_shared>> -> memref<128x128xf32, #tpu.memory_space<vmem_shared>>
      %dma_start3A_69 = arith.constant 0 : i32
      %dma_start3A_70 = arith.constant 0 : i32
      %dma_start3A_71 = tpu.memref_slice %arg8[%dma_start3A_69, %dma_start3A_70] : memref<128x128xf32, #tpu.memory_space<vmem>> -> memref<128x128xf32, #tpu.memory_space<vmem>>
      tpu.enqueue_dma source(%dma_start3A_71 : memref<128x128xf32, #tpu.memory_space<vmem>>) target(%dma_start3A_68 : memref<128x128xf32, #tpu.memory_space<vmem_shared>>) target_semaphore(%run_scoped3A : memref<!tpu.dma_semaphore, #tpu.memory_space<semaphore_mem>>)
      %dma_wait3A = arith.constant 0 : i32
      %dma_wait3A_72 = arith.constant 0 : i32
      %dma_wait3A_73 = tpu.memref_slice %arg8[%dma_wait3A, %dma_wait3A_72] : memref<128x128xf32, #tpu.memory_space<vmem>> -> memref<128x128xf32, #tpu.memory_space<vmem>>
      %dma_wait3A_74 = arith.constant 0 : i32
      %dma_wait3A_75 = tpu.memref_slice %arg9[%add3A_22, %dma_wait3A_74] : memref<10240x128xf32, #tpu.memory_space<vmem_shared>> -> memref<128x128xf32, #tpu.memory_space<vmem_shared>>
      %dma_wait3A_76 = arith.constant 0 : i32
      %dma_wait3A_77 = tpu.memref_slice %arg9[%add3A_22, %dma_wait3A_76] : memref<10240x128xf32, #tpu.memory_space<vmem_shared>> -> memref<128x128xf32, #tpu.memory_space<vmem_shared>>
      %dma_wait3A_78 = arith.constant 0 : i32
      %dma_wait3A_79 = arith.constant 0 : i32
      %dma_wait3A_80 = tpu.memref_slice %arg8[%dma_wait3A_78, %dma_wait3A_79] : memref<128x128xf32, #tpu.memory_space<vmem>> -> memref<128x128xf32, #tpu.memory_space<vmem>>
      tpu.wait_dma2 semaphore(%run_scoped3A : memref<!tpu.dma_semaphore, #tpu.memory_space<semaphore_mem>>) src(%dma_wait3A_80 : memref<128x128xf32, #tpu.memory_space<vmem>>) dst(%dma_wait3A_77 : memref<128x128xf32, #tpu.memory_space<vmem_shared>>)
      tpu.yield
    }) : () -> ()
    %mul3A_23 = arith.constant 640 : i32
    %mul3A_24 = arith.muli %arg1, %mul3A_23 : i32
    %add3A_25 = arith.constant 512 : i32
    %add3A_26 = arith.addi %mul3A_24, %add3A_25 : i32
    "tpu.region"() ({
      %run_scoped3A = tpu.sem_alloc : memref<!tpu.dma_semaphore, #tpu.memory_space<semaphore_mem>>
      %dma_start3A = arith.constant 0 : i32
      %dma_start3A_63 = arith.constant 0 : i32
      %dma_start3A_64 = tpu.memref_slice %arg8[%dma_start3A, %dma_start3A_63] : memref<128x128xf32, #tpu.memory_space<vmem>> -> memref<128x128xf32, #tpu.memory_space<vmem>>
      %dma_start3A_65 = arith.constant 0 : i32
      %dma_start3A_66 = tpu.memref_slice %arg9[%add3A_26, %dma_start3A_65] : memref<10240x128xf32, #tpu.memory_space<vmem_shared>> -> memref<128x128xf32, #tpu.memory_space<vmem_shared>>
      %dma_start3A_67 = arith.constant 0 : i32
      %dma_start3A_68 = tpu.memref_slice %arg9[%add3A_26, %dma_start3A_67] : memref<10240x128xf32, #tpu.memory_space<vmem_shared>> -> memref<128x128xf32, #tpu.memory_space<vmem_shared>>
      %dma_start3A_69 = arith.constant 0 : i32
      %dma_start3A_70 = arith.constant 0 : i32
      %dma_start3A_71 = tpu.memref_slice %arg8[%dma_start3A_69, %dma_start3A_70] : memref<128x128xf32, #tpu.memory_space<vmem>> -> memref<128x128xf32, #tpu.memory_space<vmem>>
      tpu.enqueue_dma source(%dma_start3A_71 : memref<128x128xf32, #tpu.memory_space<vmem>>) target(%dma_start3A_68 : memref<128x128xf32, #tpu.memory_space<vmem_shared>>) target_semaphore(%run_scoped3A : memref<!tpu.dma_semaphore, #tpu.memory_space<semaphore_mem>>)
      %dma_wait3A = arith.constant 0 : i32
      %dma_wait3A_72 = arith.constant 0 : i32
      %dma_wait3A_73 = tpu.memref_slice %arg8[%dma_wait3A, %dma_wait3A_72] : memref<128x128xf32, #tpu.memory_space<vmem>> -> memref<128x128xf32, #tpu.memory_space<vmem>>
      %dma_wait3A_74 = arith.constant 0 : i32
      %dma_wait3A_75 = tpu.memref_slice %arg9[%add3A_26, %dma_wait3A_74] : memref<10240x128xf32, #tpu.memory_space<vmem_shared>> -> memref<128x128xf32, #tpu.memory_space<vmem_shared>>
      %dma_wait3A_76 = arith.constant 0 : i32
      %dma_wait3A_77 = tpu.memref_slice %arg9[%add3A_26, %dma_wait3A_76] : memref<10240x128xf32, #tpu.memory_space<vmem_shared>> -> memref<128x128xf32, #tpu.memory_space<vmem_shared>>
      %dma_wait3A_78 = arith.constant 0 : i32
      %dma_wait3A_79 = arith.constant 0 : i32
      %dma_wait3A_80 = tpu.memref_slice %arg8[%dma_wait3A_78, %dma_wait3A_79] : memref<128x128xf32, #tpu.memory_space<vmem>> -> memref<128x128xf32, #tpu.memory_space<vmem>>
      tpu.wait_dma2 semaphore(%run_scoped3A : memref<!tpu.dma_semaphore, #tpu.memory_space<semaphore_mem>>) src(%dma_wait3A_80 : memref<128x128xf32, #tpu.memory_space<vmem>>) dst(%dma_wait3A_77 : memref<128x128xf32, #tpu.memory_space<vmem_shared>>)
      tpu.yield
    }) : () -> ()
    %barrier3A = arith.constant 0 : index
    tpu.barrier barrier_id(%barrier3A)
    %mul3A_27 = arith.constant 80 : i32
    %mul3A_28 = arith.muli %add3A, %mul3A_27 : i32
    %mul3A_29 = arith.constant 128 : i32
    %mul3A_30 = arith.muli %mul3A_28, %mul3A_29 : i32
    %scan3A_31 = arith.constant 0 : i32
    %scan3A_32 = arith.constant 0 : i32
    %scan3A_33 = arith.constant 80 : i32
    %scan3A_34 = arith.addi %scan3A_32, %scan3A_33 : i32
    %scan3A_35 = arith.constant 1 : i32
    %scan3A_36 = scf.for %scan3A_63 = %scan3A_32 to %scan3A_34 step %scan3A_35 iter_args(%scan3A_64 = %scan3A_31) -> (i32)  : i32 {
      %mul3A_65 = arith.constant 128 : i32
      %mul3A_66 = arith.muli %scan3A_63, %mul3A_65 : i32
      %add3A_67 = arith.addi %mul3A_30, %mul3A_66 : i32
      %multiple_of3A_68 = tpu.assume_multiple %add3A_67, 128 : i32
      "tpu.region"() ({
        %run_scoped3A = tpu.sem_alloc : memref<!tpu.dma_semaphore, #tpu.memory_space<semaphore_mem>>
        %dma_start3A_74 = tpu.memref_slice %arg3[%multiple_of3A_68] : memref<327680xi32, #tpu.memory_space<hbm>> -> memref<128xi32, #tpu.memory_space<hbm>>
        %dma_start3A_75 = tpu.memref_slice %arg3[%multiple_of3A_68] : memref<327680xi32, #tpu.memory_space<hbm>> -> memref<128xi32, #tpu.memory_space<hbm>>
        tpu.enqueue_dma source(%dma_start3A_75 : memref<128xi32, #tpu.memory_space<hbm>>) target(%arg6 : memref<128xi32, #tpu.memory_space<vmem>>) target_semaphore(%run_scoped3A : memref<!tpu.dma_semaphore, #tpu.memory_space<semaphore_mem>>)
        %dma_wait3A_76 = tpu.memref_slice %arg3[%multiple_of3A_68] : memref<327680xi32, #tpu.memory_space<hbm>> -> memref<128xi32, #tpu.memory_space<hbm>>
        %dma_wait3A_77 = tpu.memref_slice %arg3[%multiple_of3A_68] : memref<327680xi32, #tpu.memory_space<hbm>> -> memref<128xi32, #tpu.memory_space<hbm>>
        tpu.wait_dma2 semaphore(%run_scoped3A : memref<!tpu.dma_semaphore, #tpu.memory_space<semaphore_mem>>) src(%dma_wait3A_77 : memref<128xi32, #tpu.memory_space<hbm>>) dst(%arg6 : memref<128xi32, #tpu.memory_space<vmem>>)
        tpu.yield
      }) : () -> ()
      "tpu.region"() ({
        %run_scoped3A = tpu.sem_alloc : memref<!tpu.dma_semaphore, #tpu.memory_space<semaphore_mem>>
        %dma_start3A_74 = tpu.memref_slice %arg4[%multiple_of3A_68] : memref<327680xi32, #tpu.memory_space<hbm>> -> memref<128xi32, #tpu.memory_space<hbm>>
        %dma_start3A_75 = tpu.memref_slice %arg4[%multiple_of3A_68] : memref<327680xi32, #tpu.memory_space<hbm>> -> memref<128xi32, #tpu.memory_space<hbm>>
        tpu.enqueue_dma source(%dma_start3A_75 : memref<128xi32, #tpu.memory_space<hbm>>) target(%arg7 : memref<128xi32, #tpu.memory_space<vmem>>) target_semaphore(%run_scoped3A : memref<!tpu.dma_semaphore, #tpu.memory_space<semaphore_mem>>)
        %dma_wait3A_76 = tpu.memref_slice %arg4[%multiple_of3A_68] : memref<327680xi32, #tpu.memory_space<hbm>> -> memref<128xi32, #tpu.memory_space<hbm>>
        %dma_wait3A_77 = tpu.memref_slice %arg4[%multiple_of3A_68] : memref<327680xi32, #tpu.memory_space<hbm>> -> memref<128xi32, #tpu.memory_space<hbm>>
        tpu.wait_dma2 semaphore(%run_scoped3A : memref<!tpu.dma_semaphore, #tpu.memory_space<semaphore_mem>>) src(%dma_wait3A_77 : memref<128xi32, #tpu.memory_space<hbm>>) dst(%arg7 : memref<128xi32, #tpu.memory_space<vmem>>)
        tpu.yield
      }) : () -> ()
      %dma_start3A = arith.constant 0 : i32
      %dma_start3A_69 = arith.constant 0 : i32
      %dma_start3A_70 = tpu.memref_slice %arg2[%dma_start3A, %dma_start3A_69] : memref<10240x128xf32, #tpu.memory_space<hbm>> -> memref<10240x128xf32, #tpu.memory_space<hbm>>
      tpu.enqueue_indirect_dma source(%dma_start3A_70 : memref<10240x128xf32, #tpu.memory_space<hbm>>) target(%arg8 : memref<128x128xf32, #tpu.memory_space<vmem>>) offsets(%arg6 : memref<128xi32, #tpu.memory_space<vmem>>) semaphore(%arg10 : memref<!tpu.dma_semaphore, #tpu.memory_space<semaphore_mem>>)
      %dma_wait3A = arith.constant 0 : i32
      %dma_wait3A_71 = arith.constant 0 : i32
      %dma_wait3A_72 = tpu.memref_slice %arg2[%dma_wait3A, %dma_wait3A_71] : memref<10240x128xf32, #tpu.memory_space<hbm>> -> memref<10240x128xf32, #tpu.memory_space<hbm>>
      tpu.wait_indirect_dma semaphore(%arg10 : memref<!tpu.dma_semaphore, #tpu.memory_space<semaphore_mem>>) src(%dma_wait3A_72 : memref<10240x128xf32, #tpu.memory_space<hbm>>) dst(%arg8 : memref<128x128xf32, #tpu.memory_space<vmem>>)
      "tpu.region"() ({
        %run_scoped3A = tpu.sem_alloc : memref<!tpu.dma_semaphore, #tpu.memory_space<semaphore_mem>>
        %dma_start3A_74 = arith.constant 0 : i32
        %dma_start3A_75 = arith.constant 0 : i32
        %dma_start3A_76 = tpu.memref_slice %arg9[%dma_start3A_74, %dma_start3A_75] : memref<10240x128xf32, #tpu.memory_space<vmem_shared>> -> memref<10240x128xf32, #tpu.memory_space<vmem_shared>>
        tpu.enqueue_indirect_dma source(%arg8 : memref<128x128xf32, #tpu.memory_space<vmem>>) target(%dma_start3A_76 : memref<10240x128xf32, #tpu.memory_space<vmem_shared>>) offsets(%arg7 : memref<128xi32, #tpu.memory_space<vmem>>) semaphore(%run_scoped3A : memref<!tpu.dma_semaphore, #tpu.memory_space<semaphore_mem>>) {add = true}
        %dma_wait3A_77 = arith.constant 0 : i32
        %dma_wait3A_78 = arith.constant 0 : i32
        %dma_wait3A_79 = tpu.memref_slice %arg9[%dma_wait3A_77, %dma_wait3A_78] : memref<10240x128xf32, #tpu.memory_space<vmem_shared>> -> memref<10240x128xf32, #tpu.memory_space<vmem_shared>>
        tpu.wait_indirect_dma semaphore(%run_scoped3A : memref<!tpu.dma_semaphore, #tpu.memory_space<semaphore_mem>>) src(%arg8 : memref<128x128xf32, #tpu.memory_space<vmem>>) dst(%dma_wait3A_79 : memref<10240x128xf32, #tpu.memory_space<vmem_shared>>)
        tpu.yield
      }) : () -> ()
      %scan3A_73 = arith.constant 0 : i32
      scf.yield %scan3A_73 : i32
    }
    %scan3A_37 = arith.constant 80 : i32
    %barrier3A_38 = arith.constant 0 : index
    tpu.barrier barrier_id(%barrier3A_38)
    %mul3A_39 = arith.constant 640 : i32
    %mul3A_40 = arith.muli %arg1, %mul3A_39 : i32
    %add3A_41 = arith.constant 0 : i32
    %add3A_42 = arith.addi %mul3A_40, %add3A_41 : i32
    %multiple_of3A = tpu.assume_multiple %add3A_42, 32 : i32
    "tpu.region"() ({
      %run_scoped3A = tpu.sem_alloc : memref<!tpu.dma_semaphore, #tpu.memory_space<semaphore_mem>>
      %dma_start3A = arith.constant 0 : i32
      %dma_start3A_63 = tpu.memref_slice %arg5[%arg0, %multiple_of3A, %dma_start3A] : memref<2x10240x128xf32, #tpu.memory_space<hbm>> -> memref<1x128x128xf32, #tpu.memory_space<hbm>>
      %dma_start3A_64 = tpu.memref_squeeze %dma_start3A_63 : memref<1x128x128xf32, #tpu.memory_space<hbm>> -> memref<128x128xf32, #tpu.memory_space<hbm>>
      %dma_start3A_65 = arith.constant 0 : i32
      %dma_start3A_66 = tpu.memref_slice %arg9[%multiple_of3A, %dma_start3A_65] : memref<10240x128xf32, #tpu.memory_space<vmem_shared>> -> memref<128x128xf32, #tpu.memory_space<vmem_shared>>
      tpu.enqueue_dma source(%dma_start3A_66 : memref<128x128xf32, #tpu.memory_space<vmem_shared>>) target(%dma_start3A_64 : memref<128x128xf32, #tpu.memory_space<hbm>>) target_semaphore(%run_scoped3A : memref<!tpu.dma_semaphore, #tpu.memory_space<semaphore_mem>>)
      %dma_wait3A = arith.constant 0 : i32
      %dma_wait3A_67 = tpu.memref_slice %arg5[%arg0, %multiple_of3A, %dma_wait3A] : memref<2x10240x128xf32, #tpu.memory_space<hbm>> -> memref<1x128x128xf32, #tpu.memory_space<hbm>>
      %dma_wait3A_68 = tpu.memref_squeeze %dma_wait3A_67 : memref<1x128x128xf32, #tpu.memory_space<hbm>> -> memref<128x128xf32, #tpu.memory_space<hbm>>
      %dma_wait3A_69 = arith.constant 0 : i32
      %dma_wait3A_70 = tpu.memref_slice %arg9[%multiple_of3A, %dma_wait3A_69] : memref<10240x128xf32, #tpu.memory_space<vmem_shared>> -> memref<128x128xf32, #tpu.memory_space<vmem_shared>>
      tpu.wait_dma2 semaphore(%run_scoped3A : memref<!tpu.dma_semaphore, #tpu.memory_space<semaphore_mem>>) src(%dma_wait3A_70 : memref<128x128xf32, #tpu.memory_space<vmem_shared>>) dst(%dma_wait3A_68 : memref<128x128xf32, #tpu.memory_space<hbm>>)
      tpu.yield
    }) : () -> ()
    %mul3A_43 = arith.constant 640 : i32
    %mul3A_44 = arith.muli %arg1, %mul3A_43 : i32
    %add3A_45 = arith.constant 128 : i32
    %add3A_46 = arith.addi %mul3A_44, %add3A_45 : i32
    %multiple_of3A_47 = tpu.assume_multiple %add3A_46, 32 : i32
    "tpu.region"() ({
      %run_scoped3A = tpu.sem_alloc : memref<!tpu.dma_semaphore, #tpu.memory_space<semaphore_mem>>
      %dma_start3A = arith.constant 0 : i32
      %dma_start3A_63 = tpu.memref_slice %arg5[%arg0, %multiple_of3A_47, %dma_start3A] : memref<2x10240x128xf32, #tpu.memory_space<hbm>> -> memref<1x128x128xf32, #tpu.memory_space<hbm>>
      %dma_start3A_64 = tpu.memref_squeeze %dma_start3A_63 : memref<1x128x128xf32, #tpu.memory_space<hbm>> -> memref<128x128xf32, #tpu.memory_space<hbm>>
      %dma_start3A_65 = arith.constant 0 : i32
      %dma_start3A_66 = tpu.memref_slice %arg9[%multiple_of3A_47, %dma_start3A_65] : memref<10240x128xf32, #tpu.memory_space<vmem_shared>> -> memref<128x128xf32, #tpu.memory_space<vmem_shared>>
      tpu.enqueue_dma source(%dma_start3A_66 : memref<128x128xf32, #tpu.memory_space<vmem_shared>>) target(%dma_start3A_64 : memref<128x128xf32, #tpu.memory_space<hbm>>) target_semaphore(%run_scoped3A : memref<!tpu.dma_semaphore, #tpu.memory_space<semaphore_mem>>)
      %dma_wait3A = arith.constant 0 : i32
      %dma_wait3A_67 = tpu.memref_slice %arg5[%arg0, %multiple_of3A_47, %dma_wait3A] : memref<2x10240x128xf32, #tpu.memory_space<hbm>> -> memref<1x128x128xf32, #tpu.memory_space<hbm>>
      %dma_wait3A_68 = tpu.memref_squeeze %dma_wait3A_67 : memref<1x128x128xf32, #tpu.memory_space<hbm>> -> memref<128x128xf32, #tpu.memory_space<hbm>>
      %dma_wait3A_69 = arith.constant 0 : i32
      %dma_wait3A_70 = tpu.memref_slice %arg9[%multiple_of3A_47, %dma_wait3A_69] : memref<10240x128xf32, #tpu.memory_space<vmem_shared>> -> memref<128x128xf32, #tpu.memory_space<vmem_shared>>
      tpu.wait_dma2 semaphore(%run_scoped3A : memref<!tpu.dma_semaphore, #tpu.memory_space<semaphore_mem>>) src(%dma_wait3A_70 : memref<128x128xf32, #tpu.memory_space<vmem_shared>>) dst(%dma_wait3A_68 : memref<128x128xf32, #tpu.memory_space<hbm>>)
      tpu.yield
    }) : () -> ()
    %mul3A_48 = arith.constant 640 : i32
    %mul3A_49 = arith.muli %arg1, %mul3A_48 : i32
    %add3A_50 = arith.constant 256 : i32
    %add3A_51 = arith.addi %mul3A_49, %add3A_50 : i32
    %multiple_of3A_52 = tpu.assume_multiple %add3A_51, 32 : i32
    "tpu.region"() ({
      %run_scoped3A = tpu.sem_alloc : memref<!tpu.dma_semaphore, #tpu.memory_space<semaphore_mem>>
      %dma_start3A = arith.constant 0 : i32
      %dma_start3A_63 = tpu.memref_slice %arg5[%arg0, %multiple_of3A_52, %dma_start3A] : memref<2x10240x128xf32, #tpu.memory_space<hbm>> -> memref<1x128x128xf32, #tpu.memory_space<hbm>>
      %dma_start3A_64 = tpu.memref_squeeze %dma_start3A_63 : memref<1x128x128xf32, #tpu.memory_space<hbm>> -> memref<128x128xf32, #tpu.memory_space<hbm>>
      %dma_start3A_65 = arith.constant 0 : i32
      %dma_start3A_66 = tpu.memref_slice %arg9[%multiple_of3A_52, %dma_start3A_65] : memref<10240x128xf32, #tpu.memory_space<vmem_shared>> -> memref<128x128xf32, #tpu.memory_space<vmem_shared>>
      tpu.enqueue_dma source(%dma_start3A_66 : memref<128x128xf32, #tpu.memory_space<vmem_shared>>) target(%dma_start3A_64 : memref<128x128xf32, #tpu.memory_space<hbm>>) target_semaphore(%run_scoped3A : memref<!tpu.dma_semaphore, #tpu.memory_space<semaphore_mem>>)
      %dma_wait3A = arith.constant 0 : i32
      %dma_wait3A_67 = tpu.memref_slice %arg5[%arg0, %multiple_of3A_52, %dma_wait3A] : memref<2x10240x128xf32, #tpu.memory_space<hbm>> -> memref<1x128x128xf32, #tpu.memory_space<hbm>>
      %dma_wait3A_68 = tpu.memref_squeeze %dma_wait3A_67 : memref<1x128x128xf32, #tpu.memory_space<hbm>> -> memref<128x128xf32, #tpu.memory_space<hbm>>
      %dma_wait3A_69 = arith.constant 0 : i32
      %dma_wait3A_70 = tpu.memref_slice %arg9[%multiple_of3A_52, %dma_wait3A_69] : memref<10240x128xf32, #tpu.memory_space<vmem_shared>> -> memref<128x128xf32, #tpu.memory_space<vmem_shared>>
      tpu.wait_dma2 semaphore(%run_scoped3A : memref<!tpu.dma_semaphore, #tpu.memory_space<semaphore_mem>>) src(%dma_wait3A_70 : memref<128x128xf32, #tpu.memory_space<vmem_shared>>) dst(%dma_wait3A_68 : memref<128x128xf32, #tpu.memory_space<hbm>>)
      tpu.yield
    }) : () -> ()
    %mul3A_53 = arith.constant 640 : i32
    %mul3A_54 = arith.muli %arg1, %mul3A_53 : i32
    %add3A_55 = arith.constant 384 : i32
    %add3A_56 = arith.addi %mul3A_54, %add3A_55 : i32
    %multiple_of3A_57 = tpu.assume_multiple %add3A_56, 32 : i32
    "tpu.region"() ({
      %run_scoped3A = tpu.sem_alloc : memref<!tpu.dma_semaphore, #tpu.memory_space<semaphore_mem>>
      %dma_start3A = arith.constant 0 : i32
      %dma_start3A_63 = tpu.memref_slice %arg5[%arg0, %multiple_of3A_57, %dma_start3A] : memref<2x10240x128xf32, #tpu.memory_space<hbm>> -> memref<1x128x128xf32, #tpu.memory_space<hbm>>
      %dma_start3A_64 = tpu.memref_squeeze %dma_start3A_63 : memref<1x128x128xf32, #tpu.memory_space<hbm>> -> memref<128x128xf32, #tpu.memory_space<hbm>>
      %dma_start3A_65 = arith.constant 0 : i32
      %dma_start3A_66 = tpu.memref_slice %arg9[%multiple_of3A_57, %dma_start3A_65] : memref<10240x128xf32, #tpu.memory_space<vmem_shared>> -> memref<128x128xf32, #tpu.memory_space<vmem_shared>>
      tpu.enqueue_dma source(%dma_start3A_66 : memref<128x128xf32, #tpu.memory_space<vmem_shared>>) target(%dma_start3A_64 : memref<128x128xf32, #tpu.memory_space<hbm>>) target_semaphore(%run_scoped3A : memref<!tpu.dma_semaphore, #tpu.memory_space<semaphore_mem>>)
      %dma_wait3A = arith.constant 0 : i32
      %dma_wait3A_67 = tpu.memref_slice %arg5[%arg0, %multiple_of3A_57, %dma_wait3A] : memref<2x10240x128xf32, #tpu.memory_space<hbm>> -> memref<1x128x128xf32, #tpu.memory_space<hbm>>
      %dma_wait3A_68 = tpu.memref_squeeze %dma_wait3A_67 : memref<1x128x128xf32, #tpu.memory_space<hbm>> -> memref<128x128xf32, #tpu.memory_space<hbm>>
      %dma_wait3A_69 = arith.constant 0 : i32
      %dma_wait3A_70 = tpu.memref_slice %arg9[%multiple_of3A_57, %dma_wait3A_69] : memref<10240x128xf32, #tpu.memory_space<vmem_shared>> -> memref<128x128xf32, #tpu.memory_space<vmem_shared>>
      tpu.wait_dma2 semaphore(%run_scoped3A : memref<!tpu.dma_semaphore, #tpu.memory_space<semaphore_mem>>) src(%dma_wait3A_70 : memref<128x128xf32, #tpu.memory_space<vmem_shared>>) dst(%dma_wait3A_68 : memref<128x128xf32, #tpu.memory_space<hbm>>)
      tpu.yield
    }) : () -> ()
    %mul3A_58 = arith.constant 640 : i32
    %mul3A_59 = arith.muli %arg1, %mul3A_58 : i32
    %add3A_60 = arith.constant 512 : i32
    %add3A_61 = arith.addi %mul3A_59, %add3A_60 : i32
    %multiple_of3A_62 = tpu.assume_multiple %add3A_61, 32 : i32
    "tpu.region"() ({
      %run_scoped3A = tpu.sem_alloc : memref<!tpu.dma_semaphore, #tpu.memory_space<semaphore_mem>>
      %dma_start3A = arith.constant 0 : i32
      %dma_start3A_63 = tpu.memref_slice %arg5[%arg0, %multiple_of3A_62, %dma_start3A] : memref<2x10240x128xf32, #tpu.memory_space<hbm>> -> memref<1x128x128xf32, #tpu.memory_space<hbm>>
      %dma_start3A_64 = tpu.memref_squeeze %dma_start3A_63 : memref<1x128x128xf32, #tpu.memory_space<hbm>> -> memref<128x128xf32, #tpu.memory_space<hbm>>
      %dma_start3A_65 = arith.constant 0 : i32
      %dma_start3A_66 = tpu.memref_slice %arg9[%multiple_of3A_62, %dma_start3A_65] : memref<10240x128xf32, #tpu.memory_space<vmem_shared>> -> memref<128x128xf32, #tpu.memory_space<vmem_shared>>
      tpu.enqueue_dma source(%dma_start3A_66 : memref<128x128xf32, #tpu.memory_space<vmem_shared>>) target(%dma_start3A_64 : memref<128x128xf32, #tpu.memory_space<hbm>>) target_semaphore(%run_scoped3A : memref<!tpu.dma_semaphore, #tpu.memory_space<semaphore_mem>>)
      %dma_wait3A = arith.constant 0 : i32
      %dma_wait3A_67 = tpu.memref_slice %arg5[%arg0, %multiple_of3A_62, %dma_wait3A] : memref<2x10240x128xf32, #tpu.memory_space<hbm>> -> memref<1x128x128xf32, #tpu.memory_space<hbm>>
      %dma_wait3A_68 = tpu.memref_squeeze %dma_wait3A_67 : memref<1x128x128xf32, #tpu.memory_space<hbm>> -> memref<128x128xf32, #tpu.memory_space<hbm>>
      %dma_wait3A_69 = arith.constant 0 : i32
      %dma_wait3A_70 = tpu.memref_slice %arg9[%multiple_of3A_62, %dma_wait3A_69] : memref<10240x128xf32, #tpu.memory_space<vmem_shared>> -> memref<128x128xf32, #tpu.memory_space<vmem_shared>>
      tpu.wait_dma2 semaphore(%run_scoped3A : memref<!tpu.dma_semaphore, #tpu.memory_space<semaphore_mem>>) src(%dma_wait3A_70 : memref<128x128xf32, #tpu.memory_space<vmem_shared>>) dst(%dma_wait3A_68 : memref<128x128xf32, #tpu.memory_space<hbm>>)
      tpu.yield
    }) : () -> ()
    return
  }
}

module attributes {stable_mosaic.version = 14 : i64} {
  func.func @body(%arg0: i32, %arg1: memref<2x1024x16xf32, #tpu.memory_space<vmem>>, %arg2: memref<1024x128xf32, #tpu.memory_space<vmem>>, %arg3: memref<1024x128xf32, #tpu.memory_space<vmem>>) attributes {dimension_semantics = [#tpu.dimension_semantics<arbitrary>], iteration_bounds = array<i64: 10>, scalar_prefetch = 0 : i64, scratch_operands = 0 : i64, tpu.core_type = #tpu.core_type<tc>, window_params = [{transform_indices = @transform_0, window_bounds = array<i64: 2, 1024, 16>}, {transform_indices = @transform_1, window_bounds = array<i64: 1024, 128>}, {transform_indices = @transform_2, window_bounds = array<i64: 1024, 128>}]} {
    %get3A = arith.constant 0 : index
    %get3A_0 = arith.constant 0 : index
    %get3A_1 = vector.load %arg2[%get3A, %get3A_0] : memref<1024x128xf32, #tpu.memory_space<vmem>>, vector<1024x128xf32>
    %get3A_2 = arith.constant 0 : index
    %get3A_3 = arith.constant 0 : index
    %get3A_4 = arith.constant 0 : index
    %get3A_5 = vector.load %arg1[%get3A_2, %get3A_3, %get3A_4] : memref<2x1024x16xf32, #tpu.memory_space<vmem>>, vector<2x1024x16xf32>
    %slice3A = vector.extract_strided_slice %get3A_5 {offsets = [0, 0, 0], sizes = [1, 1024, 1], strides = [1, 1, 1]} : vector<2x1024x16xf32> to vector<1x1024x1xf32>
    %squeeze3A = vector.shape_cast %slice3A : vector<1x1024x1xf32> to vector<1024x1xf32>
    %slice3A_6 = vector.extract_strided_slice %get3A_5 {offsets = [1, 0, 0], sizes = [1, 1024, 1], strides = [1, 1, 1]} : vector<2x1024x16xf32> to vector<1x1024x1xf32>
    %squeeze3A_7 = vector.shape_cast %slice3A_6 : vector<1x1024x1xf32> to vector<1024x1xf32>
    %add3A = arith.addf %squeeze3A, %squeeze3A_7 : vector<1024x1xf32>
    %add3A_8 = arith.constant 1.000000e+00 : f32
    %add3A_9 = vector.broadcast %add3A_8 : f32 to vector<1024x1xf32>
    %add3A_10 = arith.addf %add3A, %add3A_9 : vector<1024x1xf32>
    %rsqrt3A = math.rsqrt %add3A_10 : vector<1024x1xf32>
    %mul3A = vector.broadcast %rsqrt3A : vector<1024x1xf32> to vector<1024x128xf32>
    %mul3A_11 = arith.mulf %get3A_1, %mul3A : vector<1024x128xf32>
    %swap3A = arith.constant 0 : index
    %swap3A_12 = arith.constant 0 : index
    %swap3A_13 = vector.load %arg3[%swap3A, %swap3A_12] : memref<1024x128xf32, #tpu.memory_space<vmem>>, vector<1024x128xf32>
    tpu.vector_store %arg3[%swap3A, %swap3A_12], %mul3A_11 {strides = array<i32>} : memref<1024x128xf32, #tpu.memory_space<vmem>>, vector<1024x128xf32>,
    return
  }
  func.func @transform_0(%arg0: i32) -> (i32, i32, i32) {
    %c0_i32 = arith.constant 0 : i32
    %c0_i32_0 = arith.constant 0 : i32
    %c0_i32_1 = arith.constant 0 : i32
    return %c0_i32, %arg0, %c0_i32_0 : i32, i32, i32
  }
  func.func @transform_1(%arg0: i32) -> (i32, i32) {
    %c0_i32 = arith.constant 0 : i32
    %c0_i32_0 = arith.constant 0 : i32
    return %arg0, %c0_i32 : i32, i32
  }
  func.func @transform_2(%arg0: i32) -> (i32, i32) {
    %c0_i32 = arith.constant 0 : i32
    %c0_i32_0 = arith.constant 0 : i32
    return %arg0, %c0_i32 : i32, i32
  }
}

module attributes {stable_mosaic.version = 14 : i64} {
  func.func @body(%arg0: i32, %arg1: memref<2x1024x128xf32, #tpu.memory_space<vmem>>, %arg2: memref<1024x128xf32, #tpu.memory_space<vmem>>, %arg3: memref<2x1024x16xf32, #tpu.memory_space<vmem>>, %arg4: memref<128x256xf32, #tpu.memory_space<vmem>>, %arg5: memref<1x256xf32, #tpu.memory_space<vmem>>, %arg6: memref<256x128xf32, #tpu.memory_space<vmem>>, %arg7: memref<1024x128xf32, #tpu.memory_space<vmem>>) attributes {dimension_semantics = [#tpu.dimension_semantics<arbitrary>], iteration_bounds = array<i64: 10>, scalar_prefetch = 0 : i64, scratch_operands = 0 : i64, tpu.core_type = #tpu.core_type<tc>, window_params = [{transform_indices = @transform_0, window_bounds = array<i64: 2, 1024, 128>}, {transform_indices = @transform_1, window_bounds = array<i64: 1024, 128>}, {transform_indices = @transform_2, window_bounds = array<i64: 2, 1024, 16>}, {pipeline_mode = #tpu.pipeline_mode<synchronous>, transform_indices = @transform_3, window_bounds = array<i64: 128, 256>}, {pipeline_mode = #tpu.pipeline_mode<synchronous>, transform_indices = @transform_4, window_bounds = array<i64: 1, 256>}, {pipeline_mode = #tpu.pipeline_mode<synchronous>, transform_indices = @transform_5, window_bounds = array<i64: 256, 128>}, {transform_indices = @transform_6, window_bounds = array<i64: 1024, 128>}]} {
    %get3A = arith.constant 0 : index
    %get3A_0 = arith.constant 0 : index
    %get3A_1 = arith.constant 0 : index
    %get3A_2 = vector.load %arg3[%get3A, %get3A_0, %get3A_1] : memref<2x1024x16xf32, #tpu.memory_space<vmem>>, vector<2x1024x16xf32>
    %slice3A = vector.extract_strided_slice %get3A_2 {offsets = [0, 0, 0], sizes = [1, 1024, 1], strides = [1, 1, 1]} : vector<2x1024x16xf32> to vector<1x1024x1xf32>
    %squeeze3A = vector.shape_cast %slice3A : vector<1x1024x1xf32> to vector<1024x1xf32>
    %slice3A_3 = vector.extract_strided_slice %get3A_2 {offsets = [1, 0, 0], sizes = [1, 1024, 1], strides = [1, 1, 1]} : vector<2x1024x16xf32> to vector<1x1024x1xf32>
    %squeeze3A_4 = vector.shape_cast %slice3A_3 : vector<1x1024x1xf32> to vector<1024x1xf32>
    %add3A = arith.addf %squeeze3A, %squeeze3A_4 : vector<1024x1xf32>
    %add3A_5 = arith.constant 1.000000e+00 : f32
    %add3A_6 = vector.broadcast %add3A_5 : f32 to vector<1024x1xf32>
    %add3A_7 = arith.addf %add3A, %add3A_6 : vector<1024x1xf32>
    %rsqrt3A = math.rsqrt %add3A_7 : vector<1024x1xf32>
    %get3A_8 = arith.constant 0 : index
    %get3A_9 = arith.constant 0 : index
    %get3A_10 = arith.constant 0 : index
    %get3A_11 = vector.load %arg1[%get3A_8, %get3A_9, %get3A_10] : memref<2x1024x128xf32, #tpu.memory_space<vmem>>, vector<1x1024x128xf32>
    %get3A_12 = vector.shape_cast %get3A_11 : vector<1x1024x128xf32> to vector<1024x128xf32>
    %get3A_13 = arith.constant 1 : index
    %get3A_14 = arith.constant 0 : index
    %get3A_15 = arith.constant 0 : index
    %get3A_16 = vector.load %arg1[%get3A_13, %get3A_14, %get3A_15] : memref<2x1024x128xf32, #tpu.memory_space<vmem>>, vector<1x1024x128xf32>
    %get3A_17 = vector.shape_cast %get3A_16 : vector<1x1024x128xf32> to vector<1024x128xf32>
    %add3A_18 = arith.addf %get3A_12, %get3A_17 : vector<1024x128xf32>
    %get3A_19 = arith.constant 0 : index
    %get3A_20 = arith.constant 0 : index
    %get3A_21 = vector.load %arg2[%get3A_19, %get3A_20] : memref<1024x128xf32, #tpu.memory_space<vmem>>, vector<1024x128xf32>
    %add3A_22 = arith.addf %add3A_18, %get3A_21 : vector<1024x128xf32>
    %mul3A = vector.broadcast %rsqrt3A : vector<1024x1xf32> to vector<1024x128xf32>
    %mul3A_23 = arith.mulf %add3A_22, %mul3A : vector<1024x128xf32>
    %get3A_24 = arith.constant 0 : index
    %get3A_25 = arith.constant 0 : index
    %get3A_26 = vector.load %arg4[%get3A_24, %get3A_25] : memref<128x256xf32, #tpu.memory_space<vmem>>, vector<128x256xf32>
    %dot_general3A = arith.constant dense<0.000000e+00> : vector<1024x256xf32>
    %dot_general3A_27 = tpu.matmul %mul3A_23, %get3A_26, %dot_general3A {dimension_numbers = #tpu.dot_dimension_numbers<[1], [0], [0], [1], [0, 0, 1, 1], [], []>, transpose_lhs_hint = false} : vector<1024x128xf32>, vector<128x256xf32>, vector<1024x256xf32> -> vector<1024x256xf32>
    %get3A_28 = arith.constant 0 : index
    %get3A_29 = arith.constant 0 : index
    %get3A_30 = vector.load %arg5[%get3A_28, %get3A_29] : memref<1x256xf32, #tpu.memory_space<vmem>>, vector<1x256xf32>
    %add3A_31 = vector.broadcast %get3A_30 : vector<1x256xf32> to vector<1024x256xf32>
    %add3A_32 = arith.addf %dot_general3A_27, %add3A_31 : vector<1024x256xf32>
    %max3A = arith.constant 0.000000e+00 : f32
    %max3A_33 = vector.broadcast %max3A : f32 to vector<1024x256xf32>
    %max3A_34 = arith.maximumf %add3A_32, %max3A_33 : vector<1024x256xf32>
    %get3A_35 = arith.constant 0 : index
    %get3A_36 = arith.constant 0 : index
    %get3A_37 = vector.load %arg6[%get3A_35, %get3A_36] : memref<256x128xf32, #tpu.memory_space<vmem>>, vector<256x128xf32>
    %dot_general3A_38 = arith.constant dense<0.000000e+00> : vector<1024x128xf32>
    %dot_general3A_39 = tpu.matmul %max3A_34, %get3A_37, %dot_general3A_38 {dimension_numbers = #tpu.dot_dimension_numbers<[1], [0], [0], [1], [0, 0, 1, 1], [], []>, transpose_lhs_hint = false} : vector<1024x256xf32>, vector<256x128xf32>, vector<1024x128xf32> -> vector<1024x128xf32>
    %mul3A_40 = arith.constant 1024 : i32
    %mul3A_41 = arith.muli %arg0, %mul3A_40 : i32
    %iota3A = tpu.iota {dimensions = array<i32: 0>} : vector<1024x1xi32>
    %add3A_42 = vector.broadcast %mul3A_41 : i32 to vector<1024x1xi32>
    %add3A_43 = arith.addi %add3A_42, %iota3A : vector<1024x1xi32>
    %lt3A = arith.constant 10000 : i32
    %lt3A_44 = vector.broadcast %lt3A : i32 to vector<1024x1xi32>
    %lt3A_45 = arith.cmpi slt, %add3A_43, %lt3A_44 : vector<1024x1xi32>
    %mul3A_46 = vector.broadcast %rsqrt3A : vector<1024x1xf32> to vector<1024x128xf32>
    %mul3A_47 = arith.mulf %dot_general3A_39, %mul3A_46 : vector<1024x128xf32>
    %jit3A = arith.constant 0.000000e+00 : f32
    %broadcast_in_dim3A = vector.shape_cast %lt3A_45 : vector<1024x1xi1> to vector<1024x1xi1>
    %broadcast_in_dim3A_48 = vector.broadcast %broadcast_in_dim3A : vector<1024x1xi1> to vector<1024x128xi1>
    %broadcast_in_dim3A_49 = vector.broadcast %jit3A : f32 to vector<1024x128xf32>
    %select_n3A = arith.select %broadcast_in_dim3A_48, %mul3A_47, %broadcast_in_dim3A_49 : vector<1024x128xi1>, vector<1024x128xf32>
    %swap3A = arith.constant 0 : index
    %swap3A_50 = arith.constant 0 : index
    %swap3A_51 = vector.load %arg7[%swap3A, %swap3A_50] : memref<1024x128xf32, #tpu.memory_space<vmem>>, vector<1024x128xf32>
    tpu.vector_store %arg7[%swap3A, %swap3A_50], %select_n3A {strides = array<i32>} : memref<1024x128xf32, #tpu.memory_space<vmem>>, vector<1024x128xf32>,
    return
  }
  func.func @transform_0(%arg0: i32) -> (i32, i32, i32) {
    %c0_i32 = arith.constant 0 : i32
    %c0_i32_0 = arith.constant 0 : i32
    %c0_i32_1 = arith.constant 0 : i32
    return %c0_i32, %arg0, %c0_i32_0 : i32, i32, i32
  }
  func.func @transform_1(%arg0: i32) -> (i32, i32) {
    %c0_i32 = arith.constant 0 : i32
    %c0_i32_0 = arith.constant 0 : i32
    return %arg0, %c0_i32 : i32, i32
  }
  func.func @transform_2(%arg0: i32) -> (i32, i32, i32) {
    %c0_i32 = arith.constant 0 : i32
    %c0_i32_0 = arith.constant 0 : i32
    %c0_i32_1 = arith.constant 0 : i32
    return %c0_i32, %arg0, %c0_i32_0 : i32, i32, i32
  }
  func.func @transform_3(%arg0: i32) -> (i32, i32) {
    %c0_i32 = arith.constant 0 : i32
    %c0_i32_0 = arith.constant 0 : i32
    %c0_i32_1 = arith.constant 0 : i32
    return %c0_i32, %c0_i32_0 : i32, i32
  }
  func.func @transform_4(%arg0: i32) -> (i32, i32) {
    %c0_i32 = arith.constant 0 : i32
    %c0_i32_0 = arith.constant 0 : i32
    %c0_i32_1 = arith.constant 0 : i32
    return %c0_i32, %c0_i32_0 : i32, i32
  }
  func.func @transform_5(%arg0: i32) -> (i32, i32) {
    %c0_i32 = arith.constant 0 : i32
    %c0_i32_0 = arith.constant 0 : i32
    %c0_i32_1 = arith.constant 0 : i32
    return %c0_i32, %c0_i32_0 : i32, i32
  }
  func.func @transform_6(%arg0: i32) -> (i32, i32) {
    %c0_i32 = arith.constant 0 : i32
    %c0_i32_0 = arith.constant 0 : i32
    return %arg0, %c0_i32 : i32, i32
  }
}

module attributes {stable_mosaic.version = 14 : i64} {
  func.func @body(%arg0: i32, %arg1: memref<2x1024x128xf32, #tpu.memory_space<vmem>>, %arg2: memref<1024x128xf32, #tpu.memory_space<vmem>>, %arg3: memref<2x1024x16xf32, #tpu.memory_space<vmem>>, %arg4: memref<1x128xf32, #tpu.memory_space<vmem>>, %arg5: memref<1024x128xf32, #tpu.memory_space<vmem>>) attributes {dimension_semantics = [#tpu.dimension_semantics<arbitrary>], iteration_bounds = array<i64: 10>, scalar_prefetch = 0 : i64, scratch_operands = 0 : i64, tpu.core_type = #tpu.core_type<tc>, window_params = [{transform_indices = @transform_0, window_bounds = array<i64: 2, 1024, 128>}, {transform_indices = @transform_1, window_bounds = array<i64: 1024, 128>}, {transform_indices = @transform_2, window_bounds = array<i64: 2, 1024, 16>}, {pipeline_mode = #tpu.pipeline_mode<synchronous>, transform_indices = @transform_3, window_bounds = array<i64: 1, 128>}, {transform_indices = @transform_4, window_bounds = array<i64: 1024, 128>}]} {
    %get3A = arith.constant 0 : index
    %get3A_0 = arith.constant 0 : index
    %get3A_1 = arith.constant 0 : index
    %get3A_2 = vector.load %arg3[%get3A, %get3A_0, %get3A_1] : memref<2x1024x16xf32, #tpu.memory_space<vmem>>, vector<2x1024x16xf32>
    %slice3A = vector.extract_strided_slice %get3A_2 {offsets = [0, 0, 0], sizes = [1, 1024, 1], strides = [1, 1, 1]} : vector<2x1024x16xf32> to vector<1x1024x1xf32>
    %squeeze3A = vector.shape_cast %slice3A : vector<1x1024x1xf32> to vector<1024x1xf32>
    %slice3A_3 = vector.extract_strided_slice %get3A_2 {offsets = [1, 0, 0], sizes = [1, 1024, 1], strides = [1, 1, 1]} : vector<2x1024x16xf32> to vector<1x1024x1xf32>
    %squeeze3A_4 = vector.shape_cast %slice3A_3 : vector<1x1024x1xf32> to vector<1024x1xf32>
    %add3A = arith.addf %squeeze3A, %squeeze3A_4 : vector<1024x1xf32>
    %add3A_5 = arith.constant 1.000000e+00 : f32
    %add3A_6 = vector.broadcast %add3A_5 : f32 to vector<1024x1xf32>
    %add3A_7 = arith.addf %add3A, %add3A_6 : vector<1024x1xf32>
    %rsqrt3A = math.rsqrt %add3A_7 : vector<1024x1xf32>
    %get3A_8 = arith.constant 0 : index
    %get3A_9 = arith.constant 0 : index
    %get3A_10 = arith.constant 0 : index
    %get3A_11 = vector.load %arg1[%get3A_8, %get3A_9, %get3A_10] : memref<2x1024x128xf32, #tpu.memory_space<vmem>>, vector<1x1024x128xf32>
    %get3A_12 = vector.shape_cast %get3A_11 : vector<1x1024x128xf32> to vector<1024x128xf32>
    %get3A_13 = arith.constant 1 : index
    %get3A_14 = arith.constant 0 : index
    %get3A_15 = arith.constant 0 : index
    %get3A_16 = vector.load %arg1[%get3A_13, %get3A_14, %get3A_15] : memref<2x1024x128xf32, #tpu.memory_space<vmem>>, vector<1x1024x128xf32>
    %get3A_17 = vector.shape_cast %get3A_16 : vector<1x1024x128xf32> to vector<1024x128xf32>
    %add3A_18 = arith.addf %get3A_12, %get3A_17 : vector<1024x128xf32>
    %get3A_19 = arith.constant 0 : index
    %get3A_20 = arith.constant 0 : index
    %get3A_21 = vector.load %arg2[%get3A_19, %get3A_20] : memref<1024x128xf32, #tpu.memory_space<vmem>>, vector<1024x128xf32>
    %add3A_22 = arith.addf %add3A_18, %get3A_21 : vector<1024x128xf32>
    %mul3A = vector.broadcast %rsqrt3A : vector<1024x1xf32> to vector<1024x128xf32>
    %mul3A_23 = arith.mulf %add3A_22, %mul3A : vector<1024x128xf32>
    %get3A_24 = arith.constant 0 : index
    %get3A_25 = arith.constant 0 : index
    %get3A_26 = vector.load %arg4[%get3A_24, %get3A_25] : memref<1x128xf32, #tpu.memory_space<vmem>>, vector<1x128xf32>
    %add3A_27 = vector.broadcast %get3A_26 : vector<1x128xf32> to vector<1024x128xf32>
    %add3A_28 = arith.addf %mul3A_23, %add3A_27 : vector<1024x128xf32>
    %swap3A = arith.constant 0 : index
    %swap3A_29 = arith.constant 0 : index
    %swap3A_30 = vector.load %arg5[%swap3A, %swap3A_29] : memref<1024x128xf32, #tpu.memory_space<vmem>>, vector<1024x128xf32>
    tpu.vector_store %arg5[%swap3A, %swap3A_29], %add3A_28 {strides = array<i32>} : memref<1024x128xf32, #tpu.memory_space<vmem>>, vector<1024x128xf32>,
    return
  }
  func.func @transform_0(%arg0: i32) -> (i32, i32, i32) {
    %c0_i32 = arith.constant 0 : i32
    %c0_i32_0 = arith.constant 0 : i32
    %c0_i32_1 = arith.constant 0 : i32
    return %c0_i32, %arg0, %c0_i32_0 : i32, i32, i32
  }
  func.func @transform_1(%arg0: i32) -> (i32, i32) {
    %c0_i32 = arith.constant 0 : i32
    %c0_i32_0 = arith.constant 0 : i32
    return %arg0, %c0_i32 : i32, i32
  }
  func.func @transform_2(%arg0: i32) -> (i32, i32, i32) {
    %c0_i32 = arith.constant 0 : i32
    %c0_i32_0 = arith.constant 0 : i32
    %c0_i32_1 = arith.constant 0 : i32
    return %c0_i32, %arg0, %c0_i32_0 : i32, i32, i32
  }
  func.func @transform_3(%arg0: i32) -> (i32, i32) {
    %c0_i32 = arith.constant 0 : i32
    %c0_i32_0 = arith.constant 0 : i32
    %c0_i32_1 = arith.constant 0 : i32
    return %c0_i32, %c0_i32_0 : i32, i32
  }
  func.func @transform_4(%arg0: i32) -> (i32, i32) {
    %c0_i32 = arith.constant 0 : i32
    %c0_i32_0 = arith.constant 0 : i32
    return %arg0, %c0_i32 : i32, i32
  }
}

</mosaic_0001>

<sc_bundles>
// kernel: kernel.11.cloned.1.call-start
scs
__scs_entry_jumppad:
0x0: {  	(pc) =	sbr.rel $0x88, $3  }
0x1: {  	(tag) =	ssettag $0x0;
	lr =	simm.s32 $0x1  }
0x2: {  	[smem:$0x3F9B] =	sst lr;
	_ =	strace $0xD0000000  }
0x3: {  	_ = 	snop  }
0x4: {  	_ = 	snop  }
0x5: {  	_ = 	snop  }
0x6: {  	_ = 	snop  }
0x7: {  	_ = 	snop  }
__scs_overlays_trampoline_lowered:
0x8: {  	[smem:$0x3FAA] =	sst s0  }
0x9: {  	[smem:$0x3FAB] =	sst s1  }
0xa: {  	[smem:$0x3FAC] =	sst s2  }
0xb: {  	[smem:$0x3FAD] =	sst s3  }
0xc: {  	[smem:$0x3FAE] =	sst s4  }
0xd: {  	[smem:$0x3FAF] =	sst s5  }
0xe: {  	[smem:$0x3FB0] =	sst s6  }
0xf: {  	[smem:$0x3FB1] =	sst s7  }
0x10: {  	[smem:$0x3FB2] =	sst s8  }
0x11: {  	[smem:$0x3FB3] =	sst s9;
	s0 =	simm.s32 @!p0 $0x0  }
0x12: {  	s1 =	sld [smem:$0x3F99];
	s0 =	simm.s32 @p0 $0x1  }
0x13: {  	[smem:$0x3FB4] =	sst s0;
	s0 =	simm.s32 @!p1 $0x0  }
0x14: {  	s2 =	sld [smem:$0x3F98];
	s0 =	simm.s32 @p1 $0x1  }
0x15: {  	[smem:$0x3FB5] =	sst s0;
	s0 =	simm.s32 @!p2 $0x0  }
0x16: {  	s3 =	sld [smem:$0x3FDB];
	s0 =	simm.s32 @p2 $0x1  }
0x17: {  	s4 =	simm.s32 $0x1BF5;
	[smem:$0x3FB7] =	sst s0  }
0x18: {  	s0 =	sld [smem:$0x3F9A];
	_ =	swait.ge [sflag:s4], $0x0  }
0x19: {  	s7 =	sld [smem:$0x3F9B]  }
0x1a: {  	s8 =	sadd.s32 $0xFFFFE003, lr  }
0x1b: {  	s9 =	sadd.s32 $0xFFFFFEF7, lr;
	s5 =	simm.s32 $0xFFFFFFFF;
	p2 =	slt.u32 s8, $0xFFFFF086  }
0x1c: {  	p1 =	slt.u32 s9, $0xF7A;
	s5 =	simm.s32 @!p2 $0x0  }
0x1d: {  	s5 =	simm.s32 @p1 $0x1;
	p0 =	seq.s32 s7, s2  }
0x1e: {  	s7 =	smul.u32 @!p0 $0xF7A, s2;
	p2 =	seq.s32 @!p0 s5, $0x0  }
0x1f: {  	s9 =	smul.u32 $0xF7A, s1;
	s8 =	simm.s32 @!p0 $0x1BF5;
	p2 =	por !p2, p0  }
0x20: {  	[sflag:s8] =	ssyncset.s32 @!p0 $0xFFFFF086;
	s6 =	sadd.s32 @!p0 s3, s7;
	s7 =	simm.s32 @!p0 $0x108  }
0x21: {  	s3 =	sadd.s32 s3, s9;
	s6 =	sadd.s32 @!p0 $0x88, s6;
	s7 =	simm.s32 @p2 $0x1082  }
0x22: {  	[simem:s7], [sflag:s8] =	dma.local @!p0 [hbm:s6], $0xF7A  }
0x23: {  	s9 =	sor.u32 $0xD0000000, s2;
	s6 =	simm.s32 $0x108;
	_ =	swait.ge @!p0 [sflag:s8], $0x0  }
0x24: {  	s3 =	sadd.s32 $0x88, s3;
	s6 =	simm.s32 @!p1 $0x1082;
	[sflag:s4] =	ssyncset.s32 $0xFFFFF086  }
0x25: {  	[simem:s6], [sflag:s4] =	dma.local [hbm:s3], $0xF7A  }
0x26: {  	[smem:$0x3F9B] =	sst s1;
	(tag) =	ssettag s2;
	_ =	strace s9  }
0x27: {  	s1 =	sld [smem:$0x3FAB]  }
0x28: {  	s2 =	sld [smem:$0x3FAC]  }
0x29: {  	s4 =	sld [smem:$0x3FAE]  }
0x2a: {  	p0 =	seq.s32 s5, $0x0;
	s5 =	sld [smem:$0x3FAF]  }
0x2b: {  	s6 =	sld [smem:$0x3FB0]  }
0x2c: {  	s7 =	sld [smem:$0x3FB1]  }
0x2d: {  	s3 =	simm.s32 $0x108;
	s8 =	sld [smem:$0x3FB2]  }
0x2e: {  	s3 =	simm.s32 @!p0 $0x1082;
	s9 =	sld [smem:$0x3FB3]  }
0x2f: {  	lr =	sadd.s32 s0, s3;
	s0 =	sld [smem:$0x3FAA]  }
0x30: {  	s3 =	sld [smem:$0x3FAD]  }
0x31: {  	[smem:$0x3FB6] =	sst s10  }
0x32: {  	s10 =	sld [smem:$0x3FB4];
	_ =	sdelay $0x3  }
0x33: {  	p0 =	seq.s32 s10, $0x1;
	s10 =	sld [smem:$0x3FB6];
	_ =	sdelay $0x3  }
0x34: {  	[smem:$0x3FB6] =	sst s10  }
0x35: {  	s10 =	sld [smem:$0x3FB5];
	_ =	sdelay $0x3  }
0x36: {  	p1 =	seq.s32 s10, $0x1;
	s10 =	sld [smem:$0x3FB6];
	_ =	sdelay $0x3  }
0x37: {  	[smem:$0x3FB6] =	sst s10  }
0x38: {  	s10 =	sld [smem:$0x3FB7]  }
0x39: {  	_ = 	snop;
	(pc) =	sbr.ind lr, $3  }
0x3a: {  	_ = 	snop  }
0x3b: {  	_ = 	snop  }
0x3c: {  	p2 =	seq.s32 s10, $0x1;
	s10 =	sld [smem:$0x3FB6]  }
0x3d: {  	_ =	shalt  }
0x3e: {  	_ =	shalt  }
0x3f: {  	_ =	shalt  }
0x40: {  	_ =	shalt  }
0x41: {  	_ =	shalt  }
0x42: {  	_ =	shalt  }
0x43: {  	_ =	shalt  }
0x44: {  	_ =	shalt  }
0x45: {  	_ =	shalt  }
0x46: {  	_ =	shalt  }
0x47: {  	_ =	shalt  }
0x48: {  	_ =	shalt  }
0x49: {  	_ =	shalt  }
0x4a: {  	_ =	shalt  }
0x4b: {  	_ =	shalt  }
0x4c: {  	_ =	shalt  }
0x4d: {  	_ =	shalt  }
0x4e: {  	_ =	shalt  }
0x4f: {  	_ =	shalt  }
0x50: {  	_ =	shalt  }
0x51: {  	_ =	shalt  }
0x52: {  	_ =	shalt  }
0x53: {  	_ =	shalt  }
0x54: {  	_ =	shalt  }
0x55: {  	_ =	shalt  }
0x56: {  	_ =	shalt  }
0x57: {  	_ =	shalt  }
0x58: {  	_ =	shalt  }
0x59: {  	_ =	shalt  }
0x5a: {  	_ =	shalt  }
0x5b: {  	_ =	shalt  }
0x5c: {  	_ =	shalt  }
0x5d: {  	_ =	shalt  }
0x5e: {  	_ =	shalt  }
0x5f: {  	_ =	shalt  }
0x60: {  	_ =	shalt  }
0x61: {  	_ =	shalt  }
0x62: {  	_ =	shalt  }
0x63: {  	_ =	shalt  }
0x64: {  	_ =	shalt  }
0x65: {  	_ =	shalt  }
0x66: {  	_ =	shalt  }
0x67: {  	_ =	shalt  }
0x68: {  	_ =	shalt  }
0x69: {  	_ =	shalt  }
0x6a: {  	_ =	shalt  }
0x6b: {  	_ =	shalt  }
0x6c: {  	_ =	shalt  }
0x6d: {  	_ =	shalt  }
0x6e: {  	_ =	shalt  }
0x6f: {  	_ =	shalt  }
0x70: {  	_ =	shalt  }
0x71: {  	_ =	shalt  }
0x72: {  	_ =	shalt  }
0x73: {  	_ =	shalt  }
0x74: {  	_ =	shalt  }
0x75: {  	_ =	shalt  }
0x76: {  	_ =	shalt  }
0x77: {  	_ =	shalt  }
0x78: {  	_ =	shalt  }
0x79: {  	_ =	shalt  }
0x7a: {  	_ =	shalt  }
0x7b: {  	_ =	shalt  }
0x7c: {  	_ =	shalt  }
0x7d: {  	_ =	shalt  }
0x7e: {  	_ =	shalt  }
0x7f: {  	_ =	shalt  }
0x80: {  	_ =	shalt  }
0x81: {  	_ =	shalt  }
0x82: {  	_ =	shalt  }
0x83: {  	_ =	shalt  }
0x84: {  	_ =	shalt  }
0x85: {  	_ =	shalt  }
0x86: {  	_ =	shalt  }
0x87: {  	_ =	shalt  }
.Lfunc_end0:
.L_simem_size_0:
called_computation.1_lowered:
.L_overlay_start_0:
0x88: {  	s2 =	sld [smem:$0x3FD9]  }
0x89: {  	s3 =	sld [smem:$0x3FFE];
	_ =	sdelay $0x1  }
0x8a: {  	s1 =	srdreg.scid  }
0x8b: {  	s0 =	sand.u32 $0x1, s1  }
0x8c: {  	s17 =	sshll.u32 s0, $0xA;
	s2 =	sadd.s32 s3, s2  }
0x8d: {  	s2 =	sadd.s32 s2, s17  }
0x8e: {  	[smem:$0x3FC2] =	sst s2  }
0x8f: {  	_ = 	snop  }
0x90: {  	s2 =	sld [smem:$0x3FD0];
	(tm) =	ssettm $0x1  }
0x91: {  	s18 =	sld [smem:$0x3FFB];
	_ =	sdelay $0x3  }
0x92: {  	_ =	strace s18  }
0x93: {  	s3 =	sld [smem:$0x3FFC];
	_ =	sdelay $0x3  }
0x94: {  	_ =	strace s3  }
0x95: {  	s3 =	sld [smem:$0x3FFD];
	_ =	sdelay $0x3  }
0x96: {  	_ =	strace s3  }
0x97: {  	_ =	strace $0x8FFFFFFF  }
0x98: {  	s19 =	sld [smem:$0x3FDB];
	_ =	sdelay $0x1  }
0x99: {  	s4 =	simm.s32 $_scs_section_size  }
0x9a: {  	s5 =	simm.s32 $_size__tile_overlayer_lowered;
	s6 =	simm.s32 $_tile_overlayer_lowered  }
0x9b: {  	s22 =	simm.s32 $0x1BFF;
	s21 =	sshll.u32 s6, $0x1;
	s3 =	sadd.s32 s4, s19  }
0x9c: {  	s7 =	simm.s32 $0x0;
	s20 =	sshll.u32 s5, $0x1;
	s5 =	sadd.s32 s21, s3  }
0x9d: {  	[timem:s7], [sflag:s22] =	dma.local [hbm:s5], s20  }
0x9e: {  	_ =	swait.ge [sflag:s22], s20  }
0x9f: {  	s4 =	ssub.s32 $0x0, s20;
	[sflag:s22] =	ssyncset.done $0x0  }
0xa0: {  	[sflag:s22] =	ssyncadd.s32 s4;
	_ =	sdelay $0x1  }
0xa1: {  	s23 =	simm.s32 $0x1B8B  }
0xa2: {  	_ =	swait.ge [sflag:s23], $0x1  }
0xa3: {  	[sflag:s23] =	ssyncset.done $0x0  }
0xa4: {  	s25 =	simm.s32 $0x1B8E;
	s24 =	sld [smem:$0x3FFE];
	[sflag:s23] =	ssyncadd.s32 $0xFFFFFFFF  }
0xa5: {  	s26 =	simm.s32 $execute0_lowered;
	[smem:$0x3FD2] =	sst s25  }
0xa6: {  	s5 =	sshll.u32 s26, $0x1;
	_ =	strace $0x80000049;
	[dreg:$0x1] =	wrdreg $0xFFFFFFFF  }
0xa7: {  	s28 =	simm.s32 $_size_execute0_lowered;
	s3 =	sadd.s32 s3, s5;
	[dreg:$0x0] =	wrdreg $0x0  }
0xa8: {  	s5 =	sshll.u32 s28, $0x1;
	[dreg:$0x2] =	wrdreg s3  }
0xa9: {  	[dreg:$0x3] =	wrdreg s5  }
0xaa: {  	[dreg:$0x4] =	wrdreg $0xC0  }
0xab: {  	_ =	task [dreg:s7], $0x5FFFF  }
0xac: {  	[dreg:$0x1] =	wrdreg $0xFFFFFFFF  }
0xad: {  	[dreg:$0x0] =	wrdreg $0x60  }
0xae: {  	[dreg:$0x2] =	wrdreg s24  }
0xaf: {  	[dreg:$0x3] =	wrdreg s2  }
0xb0: {  	[dreg:$0x4] =	wrdreg $0x41000  }
0xb1: {  	[dreg:$0x5] =	wrdreg $0x9  }
0xb2: {  	_ =	task.clear_ibuf [dreg:s7], $0x6FFFF;
	_ =	strace $0x90000049  }
0xb3: {  	s29 =	simm.s32 $0x9;
	_ =	strace $0x8000004B  }
0xb4: {  	_ =	swait.ge [sflag:s29], $0x1  }
0xb5: {  	[sflag:s29] =	ssyncadd.s32 $0xFFFFFFFF  }
0xb6: {  	_ =	strace $0x9000004B  }
0xb7: {  	_ =	sfence  }
0xb8: {  	s30 =	sld [smem:$0x0];
	_ =	sdelay $0x2  }
0xb9: {  	s31 =	sshll.u32 s1, $0xD;
	s1 =	sshrl.u32 s1, $0x2  }
0xba: {  	s3 =	sand.u32 $0x4000, s31;
	s1 =	sadd.s32 s1, s30  }
0xbb: {  	s0 =	sor.u32 s3, s0;
	s1 =	sshll.u32 s1, $0x11  }
0xbc: {  	s0 =	sor.u32 s1, s0  }
0xbd: {  	s0 =	sadd.s32 $0x8F2B, s0  }
0xbe: {  	[sflag:s0] =	ssyncadd.remote.s32 $0x1  }
0xbf: {  	_ =	sfence.sel $0xFFFF  }
0xc0: {  	[dreg:$0x0] =	wrdreg $0xFFFFFFFF;
	(pc) =	sbr.abs _section_cstart, $3  }
0xc1: {  	[dreg:$0x1] =	wrdreg $0xFFFFFFFF  }
0xc2: {  	_ =	task.clear_ibuf [dreg:s7], $0x2FFFF;
	_ =	strace $0x9FFFFFFF  }
0xc3: {  	(tm) =	ssettm $0x7FFFFFFF  }
tec
execute0_lowered:
.L_overlay_start_1:
0x0: {  	(tag) =	ssettag $0x1  }
0x1: {  	s5 =	rddreg [dreg:$0x0]  }
0x2: {  	s15 =	rddreg [dreg:$0x1]  }
0x3: {  	s1 =	rddreg [dreg:$0x2];
	s2 =	srdreg.scid  }
0x4: {  	s0 =	rddreg [dreg:$0x3];
	s7 =	sand.u32 $0x1, s2  }
0x5: {  	s2 =	stileid.u32;
	s16 =	smul.u32 $0x5000, s7  }
0x6: {  	s3 =	simm.s32 $0x0;
	s21 =	simm.s32 $0x1;
	s6 =	smul.u32 $0x50000, s2  }
0x7: {  	s22 =	simm.s32 $0x0;
	[smem:$0x7FF] =	sst s3;
	s10 =	smul.u32 $0x14000, s2  }
0x8: {  	s4 =	sadd.s32 $0x5C200, s5;
	s14 =	sadd.s32 $0x84200, s5;
	s19 =	smul.u32 $0x140000, s7  }
0x9: {  	_ =	strace $0x8000004A;
	s30 =	ssub.s32 $0x2, s7;
	s31 =	smul.u32 $0x500, s2  }
0xa: {  	s8 =	sshrl.u32 s30, $0x1;
	s17 =	sadd.s32 s16, s5;
	s6 =	sshrl.u32 s6, $0x2  }
0xb: {  	s11 =	sadd.s32 $0x4000, s10;
	s18 =	ssub.s32 s30, s8;
	s12 =	sadd.s32 $0x8000, s10  }
0xc: {  	s13 =	sadd.s32 $0xC000, s10;
	s20 =	sadd.s32 $0x10000, s10;
	s10 =	sadd.s32 s10, s19  }
0xd: {  	s16 =	sadd.s32 s16, s15;
	s5 =	sadd.s32 s6, s1;
	s6 =	sadd.s32 s11, s1  }
0xe: {  	s7 =	sadd.s32 s12, s1;
	s8 =	sadd.s32 s13, s1;
	s9 =	sadd.s32 s20, s1  }
0xf: {  	s11 =	sadd.s32 s19, s11;
	s10 =	sshrl.u32 s10, $0x3;
	s12 =	sadd.s32 s19, s12  }
0x10: {  	s13 =	sadd.s32 s19, s13;
	s19 =	sadd.s32 s19, s20;
	s15 =	smax.u32 s18, $0x1  }
0x11: {  	s16 =	sadd.s32 s31, s16;
	s17 =	sadd.s32 s31, s17;
	s18 =	simm.s32 $0x100  }
0x12: {  	s20 =	simm.s32 $0x80;
	s11 =	sshrl.u32 s11, $0x3;
	s10 =	sadd.s32 s14, s10  }
0x13: {  	s12 =	sshrl.u32 s12, $0x3;
	s13 =	sshrl.u32 s13, $0x3;
	s19 =	sshrl.u32 s19, $0x3  }
0x14: {  	s17 =	sadd.s32 $0x52200, s17;
	s11 =	sadd.s32 s14, s11;
	s12 =	sadd.s32 s14, s12  }
0x15: {  	v0 =	vimm.f32 $0.0e+00;
	s13 =	sadd.s32 s14, s13;
	s14 =	sadd.s32 s14, s19;
	s19 =	simm.s32 $0x2  }
.LBB2_1:
0x16: {  	s23 =	simm.s32 $0x0;
	s24 =	simm.s32 $0x200  }
.LBB2_2:
0x17: {  	p0 =	sne.s32 s24, $0xFE00;
	[tilespmem:s23+$0x170] =	vst v0  }
0x18: {  	[tilespmem:s23+$0x100] =	vst v0  }
0x19: {  	[tilespmem:s23+$0x110] =	vst v0  }
.Ltmp0:
0x1a: {  	[tilespmem:s23+$0x120] =	vst v0;
	(pc) =	sbr.rel @p0 .LBB2_2-.Ltmp0, $4  }
0x1b: {  	[tilespmem:s23+$0x130] =	vst v0  }
0x1c: {  	[tilespmem:s23+$0x140] =	vst v0  }
0x1d: {  	[tilespmem:s23+$0x150] =	vst v0  }
0x1e: {  	[tilespmem:s23+$0x160] =	vst v0;
	s23 =	sshra.s32 s24, $0x2;
	s24 =	sadd.s32 $0x200, s24  }
0x1f: {  	[tilespmem:s23+$0x170] =	vst v0  }
0x20: {  	[tilespmem:s23+$0x100] =	vst v0  }
0x21: {  	[tilespmem:s23+$0x110] =	vst v0  }
0x22: {  	[tilespmem:s23+$0x120] =	vst v0  }
0x23: {  	[tilespmem:s23+$0x130] =	vst v0  }
0x24: {  	[tilespmem:s23+$0x140] =	vst v0  }
0x25: {  	[tilespmem:s23+$0x150] =	vst v0  }
0x26: {  	[tilespmem:s23+$0x160] =	vst v0  }
0x27: {  	[spmem:s5] =	stream.linear.scatter [tilespmem:s18], [sflag:$0x2], $0x4000, $0x38;
	[tilespmem:$0x18100] =	vst v63  }
0x28: {  	_ =	swait.ge [sflag:s19], $0x4000  }
0x29: {  	[sflag:s19] =	ssyncset.done $0x0  }
0x2a: {  	[sflag:s19] =	ssyncadd.s32 $0xFFFFC000  }
0x2b: {  	[spmem:s6] =	stream.linear.scatter [tilespmem:s18], [sflag:$0x2], $0x4000, $0x38;
	[tilespmem:$0x18100] =	vst v63  }
0x2c: {  	_ =	swait.ge [sflag:s19], $0x4000  }
0x2d: {  	[sflag:s19] =	ssyncset.done $0x0  }
0x2e: {  	[sflag:s19] =	ssyncadd.s32 $0xFFFFC000  }
0x2f: {  	[spmem:s7] =	stream.linear.scatter [tilespmem:s18], [sflag:$0x2], $0x4000, $0x38;
	[tilespmem:$0x18100] =	vst v63  }
0x30: {  	_ =	swait.ge [sflag:s19], $0x4000  }
0x31: {  	[sflag:s19] =	ssyncset.done $0x0  }
0x32: {  	[sflag:s19] =	ssyncadd.s32 $0xFFFFC000  }
0x33: {  	[spmem:s8] =	stream.linear.scatter [tilespmem:s18], [sflag:$0x2], $0x4000, $0x38;
	[tilespmem:$0x18100] =	vst v63  }
0x34: {  	_ =	swait.ge [sflag:s19], $0x4000  }
0x35: {  	[sflag:s19] =	ssyncset.done $0x0  }
0x36: {  	[sflag:s19] =	ssyncadd.s32 $0xFFFFC000  }
0x37: {  	[spmem:s9] =	stream.linear.scatter [tilespmem:s18], [sflag:$0x2], $0x4000, $0x38;
	[tilespmem:$0x18100] =	vst v63  }
0x38: {  	_ =	swait.ge [sflag:s19], $0x4000  }
0x39: {  	[sflag:s19] =	ssyncset.done $0x0  }
0x3a: {  	[sflag:s19] =	ssyncadd.s32 $0xFFFFC000  }
0x3b: {  	s30 =	sadd.s32 $0x0, s17;
	[bflag:$0x0] =	sbarrier.arrive $0xFFFF  }
0x3c: {  	[tilespmem:s3], [sflag:$0x2] =	stream.linear.gather [hbm4b:s30+s3], $0x80, $0x38;
	[tilespmem:$0x18100] =	vst v63  }
0x3d: {  	_ =	swait.ge [sflag:s19], $0x80  }
0x3e: {  	[sflag:s19] =	ssyncset.done $0x0  }
0x3f: {  	s31 =	sadd.s32 $0x0, s16;
	[sflag:s19] =	ssyncadd.s32 $0xFFFFFF80  }
0x40: {  	[tilespmem:s20], [sflag:$0x2] =	stream.linear.gather [hbm4b:s31+s3], $0x80, $0x38;
	[tilespmem:$0x18100] =	vst v63  }
0x41: {  	_ =	swait.ge [sflag:s19], $0x80  }
0x42: {  	[sflag:s19] =	ssyncset.done $0x0  }
0x43: {  	[sflag:s19] =	ssyncadd.s32 $0xFFFFFF80  }
0x44: {  	[tilespmem:s18], [sflag:$0x1] =	stream.indirect.gather [hbm4b:s4+s20], $0x80, s3, s20, $0xb8;
	[tilespmem:$0x18100] =	vst v63  }
0x45: {  	_ =	swait.ge [sflag:s21], $0x4000  }
0x46: {  	[sflag:s21] =	ssyncset.done $0x0  }
0x47: {  	[sflag:s21] =	ssyncadd.s32 $0xFFFFC000  }
0x48: {  	[spmem:s1] =	stream.indirect.scatter.add.f32 [tilespmem:s18], [sflag:$0x2], $0x80, s20, s20, $0xb8;
	[tilespmem:$0x18100] =	vst v63  }
0x49: {  	_ =	swait.ge [sflag:s19], $0x4000  }
0x4a: {  	s23 =	simm.s32 $0x10;
	s24 =	simm.s32 $0x20;
	[sflag:s19] =	ssyncset.done $0x0  }
.LBB2_4:
0x4b: {  	s25 =	sadd.s32 s23, s17  }
0x4c: {  	[sflag:s19] =	ssyncadd.s32 $0xFFFFC000;
	s26 =	smov.u32 s24;
	s28 =	sadd.s32 $0x10, s24  }
0x4d: {  	[tilespmem:s3], [sflag:$0x2] =	stream.linear.gather [hbm4b:s25+s3], $0x80, $0x38;
	[tilespmem:$0x18100] =	vst v63  }
0x4e: {  	p0 =	sne.s32 s24, $0x4F0;
	_ =	swait.ge [sflag:s19], $0x80  }
0x4f: {  	[sflag:s19] =	ssyncset.done $0x0  }
0x50: {  	s24 =	sadd.s32 s23, s16;
	s23 =	smov.u32 s26;
	[sflag:s19] =	ssyncadd.s32 $0xFFFFFF80  }
0x51: {  	[tilespmem:s20], [sflag:$0x2] =	stream.linear.gather [hbm4b:s24+s3], $0x80, $0x38;
	[tilespmem:$0x18100] =	vst v63  }
0x52: {  	_ =	swait.ge [sflag:s19], $0x80  }
0x53: {  	[sflag:s19] =	ssyncset.done $0x0  }
0x54: {  	[sflag:s19] =	ssyncadd.s32 $0xFFFFFF80  }
0x55: {  	[tilespmem:s18], [sflag:$0x1] =	stream.indirect.gather [hbm4b:s4+s20], $0x80, s3, s20, $0xb8;
	[tilespmem:$0x18100] =	vst v63  }
0x56: {  	_ =	swait.ge [sflag:s21], $0x4000  }
.Ltmp1:
0x57: {  	[sflag:s21] =	ssyncset.done $0x0;
	(pc) =	sbr.rel @p0 .LBB2_4-.Ltmp1, $4  }
0x58: {  	[sflag:s21] =	ssyncadd.s32 $0xFFFFC000  }
0x59: {  	[spmem:s1] =	stream.indirect.scatter.add.f32 [tilespmem:s18], [sflag:$0x2], $0x80, s20, s20, $0xb8;
	[tilespmem:$0x18100] =	vst v63  }
0x5a: {  	_ =	swait.ge [sflag:s19], $0x4000  }
0x5b: {  	s24 =	smov.u32 s28;
	[sflag:s19] =	ssyncset.done $0x0  }
0x5c: {  	s24 =	sadd.s32 s23, s17;
	[sflag:s19] =	ssyncadd.s32 $0xFFFFC000  }
0x5d: {  	[tilespmem:s3], [sflag:$0x2] =	stream.linear.gather [hbm4b:s24+s3], $0x80, $0x38;
	[tilespmem:$0x18100] =	vst v63  }
0x5e: {  	_ =	swait.ge [sflag:s19], $0x80  }
0x5f: {  	[sflag:s19] =	ssyncset.done $0x0  }
0x60: {  	s24 =	sadd.s32 s23, s16;
	[sflag:s19] =	ssyncadd.s32 $0xFFFFFF80  }
0x61: {  	[tilespmem:s20], [sflag:$0x2] =	stream.linear.gather [hbm4b:s24+s3], $0x80, $0x38;
	[tilespmem:$0x18100] =	vst v63  }
0x62: {  	_ =	swait.ge [sflag:s19], $0x80  }
0x63: {  	[sflag:s19] =	ssyncset.done $0x0  }
0x64: {  	[sflag:s19] =	ssyncadd.s32 $0xFFFFFF80  }
0x65: {  	[tilespmem:s18], [sflag:$0x1] =	stream.indirect.gather [hbm4b:s4+s20], $0x80, s3, s20, $0xb8;
	[tilespmem:$0x18100] =	vst v63  }
0x66: {  	_ =	swait.ge [sflag:s21], $0x4000  }
0x67: {  	[sflag:s21] =	ssyncset.done $0x0  }
0x68: {  	[sflag:s21] =	ssyncadd.s32 $0xFFFFC000  }
0x69: {  	[spmem:s1] =	stream.indirect.scatter.add.f32 [tilespmem:s18], [sflag:$0x2], $0x80, s20, s20, $0xb8;
	[tilespmem:$0x18100] =	vst v63  }
0x6a: {  	_ =	swait.ge [sflag:s19], $0x4000  }
0x6b: {  	[sflag:s19] =	ssyncset.done $0x0  }
0x6c: {  	s25 =	sshll.u32 s2, $0x6;
	[sflag:s19] =	ssyncadd.s32 $0xFFFFC000  }
0x6d: {  	s26 =	sshrl.u32 s5, $0x3;
	s23 =	sor.u32 $0x1C02, s25;
	[bflag:$0x0] =	sbarrier.arrive $0xFFFF  }
0x6e: {  	[hbm:s10], [sflag:s23] =	dma.local [spmem:s26], $0x800  }
0x6f: {  	_ =	swait.ge [sflag:s19], $0x800  }
0x70: {  	[sflag:s19] =	ssyncset.done $0x0  }
0x71: {  	s28 =	sshrl.u32 s6, $0x3;
	[sflag:s19] =	ssyncadd.s32 $0xFFFFF800  }
0x72: {  	[hbm:s11], [sflag:s23] =	dma.local [spmem:s28], $0x800  }
0x73: {  	_ =	swait.ge [sflag:s19], $0x800  }
0x74: {  	[sflag:s19] =	ssyncset.done $0x0  }
0x75: {  	s29 =	sshrl.u32 s7, $0x3;
	[sflag:s19] =	ssyncadd.s32 $0xFFFFF800  }
0x76: {  	[hbm:s12], [sflag:s23] =	dma.local [spmem:s29], $0x800  }
0x77: {  	_ =	swait.ge [sflag:s19], $0x800  }
0x78: {  	[sflag:s19] =	ssyncset.done $0x0  }
0x79: {  	s30 =	sshrl.u32 s8, $0x3;
	[sflag:s19] =	ssyncadd.s32 $0xFFFFF800  }
0x7a: {  	[hbm:s13], [sflag:s23] =	dma.local [spmem:s30], $0x800  }
0x7b: {  	s22 =	sadd.s32 $0x1, s22;
	_ =	swait.ge [sflag:s19], $0x800  }
0x7c: {  	p0 =	sne.s32 s22, s15;
	[sflag:s19] =	ssyncset.done $0x0  }
.Ltmp2:
0x7d: {  	s31 =	sshrl.u32 s9, $0x3;
	[sflag:s19] =	ssyncadd.s32 $0xFFFFF800;
	(pc) =	sbr.rel @p0 .LBB2_1-.Ltmp2, $4  }
0x7e: {  	[hbm:s14], [sflag:s23] =	dma.local [spmem:s31], $0x800  }
0x7f: {  	_ =	swait.ge [sflag:s19], $0x800  }
0x80: {  	[sflag:s19] =	ssyncset.done $0x0  }
0x81: {  	[sflag:s19] =	ssyncadd.s32 $0xFFFFF800  }
0x82: {  	_ =	sfence.sel $0x180000  }
0x83: {  	[bflag:$0x0] =	sbarrier.arrive $0xFFFF  }
0x84: {  	p0 =	sne.s32 s2, $0x0;
	_ =	strace $0x9000004A  }
0x85: {  	s0 =	sadd.s32 @!p0 $0x100000, s0;
	[bflag:$0x2] =	sbarrier.arrive $0xFFFF  }
0x86: {  	[sflag:s0] =	ssyncadd.tile.s32 @!p0 $0x1;
	_ =	shalt  }
.Lfunc_end2:
_tile_overlayer_lowered:
.L_overlay_start_2:
0x87: {  	(tag) =	ssettag $0x2  }
0x88: {  	s0 =	rddreg [dreg:$0x0];
	s2 =	stileid.u32  }
0x89: {  	s1 =	rddreg [dreg:$0x1];
	p0 =	sne.s32 s2, $0x0  }
0x8a: {  	s3 =	rddreg [dreg:$0x2];
	[bflag:$0x3] =	sbarrier.arrive $0xFFFF;
	s2 =	simm.s32 @!p0 $0x1C02  }
0x8b: {  	[timem:s3], [sflag:s2] =	dma.local @!p0 [hbm:s0], s1  }
0x8c: {  	s0 =	simm.s32 @!p0 $0x2  }
0x8d: {  	_ =	swait.ge @!p0 [sflag:s0], s1  }
0x8e: {  	s1 =	ssub.s32 @!p0 $0x0, s1;
	[sflag:s0] =	ssyncset.done @!p0 $0x0  }
0x8f: {  	[sflag:s0] =	ssyncadd.s32 @!p0 s1  }
0x90: {  	[bflag:$0x3] =	sbarrier.arrive $0xFFFF  }
0x91: {  	_ =	shalt  }

// kernel: kernel.14.cloned.1.call-start
scs
__scs_entry_jumppad:
0x0: {  	(pc) =	sbr.rel $0x88, $3  }
0x1: {  	(tag) =	ssettag $0x0;
	lr =	simm.s32 $0x1  }
0x2: {  	[smem:$0x3F9B] =	sst lr;
	_ =	strace $0xD0000000  }
0x3: {  	_ = 	snop  }
0x4: {  	_ = 	snop  }
0x5: {  	_ = 	snop  }
0x6: {  	_ = 	snop  }
0x7: {  	_ = 	snop  }
__scs_overlays_trampoline_lowered:
0x8: {  	[smem:$0x3FAA] =	sst s0  }
0x9: {  	[smem:$0x3FAB] =	sst s1  }
0xa: {  	[smem:$0x3FAC] =	sst s2  }
0xb: {  	[smem:$0x3FAD] =	sst s3  }
0xc: {  	[smem:$0x3FAE] =	sst s4  }
0xd: {  	[smem:$0x3FAF] =	sst s5  }
0xe: {  	[smem:$0x3FB0] =	sst s6  }
0xf: {  	[smem:$0x3FB1] =	sst s7  }
0x10: {  	[smem:$0x3FB2] =	sst s8  }
0x11: {  	[smem:$0x3FB3] =	sst s9;
	s0 =	simm.s32 @!p0 $0x0  }
0x12: {  	s1 =	sld [smem:$0x3F99];
	s0 =	simm.s32 @p0 $0x1  }
0x13: {  	[smem:$0x3FB4] =	sst s0;
	s0 =	simm.s32 @!p1 $0x0  }
0x14: {  	s2 =	sld [smem:$0x3F98];
	s0 =	simm.s32 @p1 $0x1  }
0x15: {  	[smem:$0x3FB5] =	sst s0;
	s0 =	simm.s32 @!p2 $0x0  }
0x16: {  	s3 =	sld [smem:$0x3FDB];
	s0 =	simm.s32 @p2 $0x1  }
0x17: {  	s4 =	simm.s32 $0x1BF5;
	[smem:$0x3FB7] =	sst s0  }
0x18: {  	s0 =	sld [smem:$0x3F9A];
	_ =	swait.ge [sflag:s4], $0x0  }
0x19: {  	s7 =	sld [smem:$0x3F9B]  }
0x1a: {  	s8 =	sadd.s32 $0xFFFFE003, lr  }
0x1b: {  	s9 =	sadd.s32 $0xFFFFFEF7, lr;
	s5 =	simm.s32 $0xFFFFFFFF;
	p2 =	slt.u32 s8, $0xFFFFF086  }
0x1c: {  	p1 =	slt.u32 s9, $0xF7A;
	s5 =	simm.s32 @!p2 $0x0  }
0x1d: {  	s5 =	simm.s32 @p1 $0x1;
	p0 =	seq.s32 s7, s2  }
0x1e: {  	s7 =	smul.u32 @!p0 $0xF7A, s2;
	p2 =	seq.s32 @!p0 s5, $0x0  }
0x1f: {  	s9 =	smul.u32 $0xF7A, s1;
	s8 =	simm.s32 @!p0 $0x1BF5;
	p2 =	por !p2, p0  }
0x20: {  	[sflag:s8] =	ssyncset.s32 @!p0 $0xFFFFF086;
	s6 =	sadd.s32 @!p0 s3, s7;
	s7 =	simm.s32 @!p0 $0x108  }
0x21: {  	s3 =	sadd.s32 s3, s9;
	s6 =	sadd.s32 @!p0 $0x88, s6;
	s7 =	simm.s32 @p2 $0x1082  }
0x22: {  	[simem:s7], [sflag:s8] =	dma.local @!p0 [hbm:s6], $0xF7A  }
0x23: {  	s9 =	sor.u32 $0xD0000000, s2;
	s6 =	simm.s32 $0x108;
	_ =	swait.ge @!p0 [sflag:s8], $0x0  }
0x24: {  	s3 =	sadd.s32 $0x88, s3;
	s6 =	simm.s32 @!p1 $0x1082;
	[sflag:s4] =	ssyncset.s32 $0xFFFFF086  }
0x25: {  	[simem:s6], [sflag:s4] =	dma.local [hbm:s3], $0xF7A  }
0x26: {  	[smem:$0x3F9B] =	sst s1;
	(tag) =	ssettag s2;
	_ =	strace s9  }
0x27: {  	s1 =	sld [smem:$0x3FAB]  }
0x28: {  	s2 =	sld [smem:$0x3FAC]  }
0x29: {  	s4 =	sld [smem:$0x3FAE]  }
0x2a: {  	p0 =	seq.s32 s5, $0x0;
	s5 =	sld [smem:$0x3FAF]  }
0x2b: {  	s6 =	sld [smem:$0x3FB0]  }
0x2c: {  	s7 =	sld [smem:$0x3FB1]  }
0x2d: {  	s3 =	simm.s32 $0x108;
	s8 =	sld [smem:$0x3FB2]  }
0x2e: {  	s3 =	simm.s32 @!p0 $0x1082;
	s9 =	sld [smem:$0x3FB3]  }
0x2f: {  	lr =	sadd.s32 s0, s3;
	s0 =	sld [smem:$0x3FAA]  }
0x30: {  	s3 =	sld [smem:$0x3FAD]  }
0x31: {  	[smem:$0x3FB6] =	sst s10  }
0x32: {  	s10 =	sld [smem:$0x3FB4];
	_ =	sdelay $0x3  }
0x33: {  	p0 =	seq.s32 s10, $0x1;
	s10 =	sld [smem:$0x3FB6];
	_ =	sdelay $0x3  }
0x34: {  	[smem:$0x3FB6] =	sst s10  }
0x35: {  	s10 =	sld [smem:$0x3FB5];
	_ =	sdelay $0x3  }
0x36: {  	p1 =	seq.s32 s10, $0x1;
	s10 =	sld [smem:$0x3FB6];
	_ =	sdelay $0x3  }
0x37: {  	[smem:$0x3FB6] =	sst s10  }
0x38: {  	s10 =	sld [smem:$0x3FB7]  }
0x39: {  	_ = 	snop;
	(pc) =	sbr.ind lr, $3  }
0x3a: {  	_ = 	snop  }
0x3b: {  	_ = 	snop  }
0x3c: {  	p2 =	seq.s32 s10, $0x1;
	s10 =	sld [smem:$0x3FB6]  }
0x3d: {  	_ =	shalt  }
0x3e: {  	_ =	shalt  }
0x3f: {  	_ =	shalt  }
0x40: {  	_ =	shalt  }
0x41: {  	_ =	shalt  }
0x42: {  	_ =	shalt  }
0x43: {  	_ =	shalt  }
0x44: {  	_ =	shalt  }
0x45: {  	_ =	shalt  }
0x46: {  	_ =	shalt  }
0x47: {  	_ =	shalt  }
0x48: {  	_ =	shalt  }
0x49: {  	_ =	shalt  }
0x4a: {  	_ =	shalt  }
0x4b: {  	_ =	shalt  }
0x4c: {  	_ =	shalt  }
0x4d: {  	_ =	shalt  }
0x4e: {  	_ =	shalt  }
0x4f: {  	_ =	shalt  }
0x50: {  	_ =	shalt  }
0x51: {  	_ =	shalt  }
0x52: {  	_ =	shalt  }
0x53: {  	_ =	shalt  }
0x54: {  	_ =	shalt  }
0x55: {  	_ =	shalt  }
0x56: {  	_ =	shalt  }
0x57: {  	_ =	shalt  }
0x58: {  	_ =	shalt  }
0x59: {  	_ =	shalt  }
0x5a: {  	_ =	shalt  }
0x5b: {  	_ =	shalt  }
0x5c: {  	_ =	shalt  }
0x5d: {  	_ =	shalt  }
0x5e: {  	_ =	shalt  }
0x5f: {  	_ =	shalt  }
0x60: {  	_ =	shalt  }
0x61: {  	_ =	shalt  }
0x62: {  	_ =	shalt  }
0x63: {  	_ =	shalt  }
0x64: {  	_ =	shalt  }
0x65: {  	_ =	shalt  }
0x66: {  	_ =	shalt  }
0x67: {  	_ =	shalt  }
0x68: {  	_ =	shalt  }
0x69: {  	_ =	shalt  }
0x6a: {  	_ =	shalt  }
0x6b: {  	_ =	shalt  }
0x6c: {  	_ =	shalt  }
0x6d: {  	_ =	shalt  }
0x6e: {  	_ =	shalt  }
0x6f: {  	_ =	shalt  }
0x70: {  	_ =	shalt  }
0x71: {  	_ =	shalt  }
0x72: {  	_ =	shalt  }
0x73: {  	_ =	shalt  }
0x74: {  	_ =	shalt  }
0x75: {  	_ =	shalt  }
0x76: {  	_ =	shalt  }
0x77: {  	_ =	shalt  }
0x78: {  	_ =	shalt  }
0x79: {  	_ =	shalt  }
0x7a: {  	_ =	shalt  }
0x7b: {  	_ =	shalt  }
0x7c: {  	_ =	shalt  }
0x7d: {  	_ =	shalt  }
0x7e: {  	_ =	shalt  }
0x7f: {  	_ =	shalt  }
0x80: {  	_ =	shalt  }
0x81: {  	_ =	shalt  }
0x82: {  	_ =	shalt  }
0x83: {  	_ =	shalt  }
0x84: {  	_ =	shalt  }
0x85: {  	_ =	shalt  }
0x86: {  	_ =	shalt  }
0x87: {  	_ =	shalt  }
.Lfunc_end0:
.L_simem_size_0:
called_computation.2_lowered:
.L_overlay_start_0:
0x88: {  	s2 =	sld [smem:$0x3FD9]  }
0x89: {  	s3 =	sld [smem:$0x3FFE];
	_ =	sdelay $0x1  }
0x8a: {  	s1 =	srdreg.scid  }
0x8b: {  	s0 =	sand.u32 $0x1, s1  }
0x8c: {  	s17 =	sshll.u32 s0, $0xA;
	s2 =	sadd.s32 s3, s2  }
0x8d: {  	s2 =	sadd.s32 s2, s17  }
0x8e: {  	[smem:$0x3FC2] =	sst s2  }
0x8f: {  	_ = 	snop  }
0x90: {  	s2 =	sld [smem:$0x3FD0];
	(tm) =	ssettm $0x1  }
0x91: {  	s18 =	sld [smem:$0x3FFB];
	_ =	sdelay $0x3  }
0x92: {  	_ =	strace s18  }
0x93: {  	s3 =	sld [smem:$0x3FFC];
	_ =	sdelay $0x3  }
0x94: {  	_ =	strace s3  }
0x95: {  	s3 =	sld [smem:$0x3FFD];
	_ =	sdelay $0x3  }
0x96: {  	_ =	strace s3  }
0x97: {  	_ =	strace $0x8FFFFFFF  }
0x98: {  	s19 =	sld [smem:$0x3FDB];
	_ =	sdelay $0x1  }
0x99: {  	s4 =	simm.s32 $_scs_section_size  }
0x9a: {  	s5 =	simm.s32 $_size__tile_overlayer_lowered;
	s6 =	simm.s32 $_tile_overlayer_lowered  }
0x9b: {  	s22 =	simm.s32 $0x1BFF;
	s21 =	sshll.u32 s6, $0x1;
	s3 =	sadd.s32 s4, s19  }
0x9c: {  	s7 =	simm.s32 $0x0;
	s20 =	sshll.u32 s5, $0x1;
	s5 =	sadd.s32 s21, s3  }
0x9d: {  	[timem:s7], [sflag:s22] =	dma.local [hbm:s5], s20  }
0x9e: {  	_ =	swait.ge [sflag:s22], s20  }
0x9f: {  	s4 =	ssub.s32 $0x0, s20;
	[sflag:s22] =	ssyncset.done $0x0  }
0xa0: {  	[sflag:s22] =	ssyncadd.s32 s4;
	_ =	sdelay $0x1  }
0xa1: {  	s23 =	simm.s32 $0x1B8B  }
0xa2: {  	_ =	swait.ge [sflag:s23], $0x1  }
0xa3: {  	[sflag:s23] =	ssyncset.done $0x0  }
0xa4: {  	s25 =	simm.s32 $0x1B8E;
	s24 =	sld [smem:$0x3FFE];
	[sflag:s23] =	ssyncadd.s32 $0xFFFFFFFF  }
0xa5: {  	s26 =	simm.s32 $execute0_lowered;
	[smem:$0x3FD2] =	sst s25  }
0xa6: {  	s5 =	sshll.u32 s26, $0x1;
	_ =	strace $0x8000004C;
	[dreg:$0x1] =	wrdreg $0xFFFFFFFF  }
0xa7: {  	s28 =	simm.s32 $_size_execute0_lowered;
	s3 =	sadd.s32 s3, s5;
	[dreg:$0x0] =	wrdreg $0x0  }
0xa8: {  	s5 =	sshll.u32 s28, $0x1;
	[dreg:$0x2] =	wrdreg s3  }
0xa9: {  	[dreg:$0x3] =	wrdreg s5  }
0xaa: {  	[dreg:$0x4] =	wrdreg $0xC0  }
0xab: {  	_ =	task [dreg:s7], $0x5FFFF  }
0xac: {  	[dreg:$0x1] =	wrdreg $0xFFFFFFFF  }
0xad: {  	[dreg:$0x0] =	wrdreg $0x60  }
0xae: {  	[dreg:$0x2] =	wrdreg s24  }
0xaf: {  	[dreg:$0x3] =	wrdreg s2  }
0xb0: {  	[dreg:$0x4] =	wrdreg $0x41000  }
0xb1: {  	[dreg:$0x5] =	wrdreg $0x9  }
0xb2: {  	_ =	task.clear_ibuf [dreg:s7], $0x6FFFF;
	_ =	strace $0x9000004C  }
0xb3: {  	s29 =	simm.s32 $0x9;
	_ =	strace $0x8000004E  }
0xb4: {  	_ =	swait.ge [sflag:s29], $0x1  }
0xb5: {  	[sflag:s29] =	ssyncadd.s32 $0xFFFFFFFF  }
0xb6: {  	_ =	strace $0x9000004E  }
0xb7: {  	_ =	sfence  }
0xb8: {  	s30 =	sld [smem:$0x0];
	_ =	sdelay $0x2  }
0xb9: {  	s31 =	sshll.u32 s1, $0xD;
	s1 =	sshrl.u32 s1, $0x2  }
0xba: {  	s3 =	sand.u32 $0x4000, s31;
	s1 =	sadd.s32 s1, s30  }
0xbb: {  	s0 =	sor.u32 s3, s0;
	s1 =	sshll.u32 s1, $0x11  }
0xbc: {  	s0 =	sor.u32 s1, s0  }
0xbd: {  	s0 =	sadd.s32 $0x8F2B, s0  }
0xbe: {  	[sflag:s0] =	ssyncadd.remote.s32 $0x1  }
0xbf: {  	_ =	sfence.sel $0xFFFF  }
0xc0: {  	[dreg:$0x0] =	wrdreg $0xFFFFFFFF;
	(pc) =	sbr.abs _section_cstart, $3  }
0xc1: {  	[dreg:$0x1] =	wrdreg $0xFFFFFFFF  }
0xc2: {  	_ =	task.clear_ibuf [dreg:s7], $0x2FFFF;
	_ =	strace $0x9FFFFFFF  }
0xc3: {  	(tm) =	ssettm $0x7FFFFFFF  }
tec
execute0_lowered:
.L_overlay_start_1:
0x0: {  	(tag) =	ssettag $0x1  }
0x1: {  	s5 =	rddreg [dreg:$0x0]  }
0x2: {  	s15 =	rddreg [dreg:$0x1]  }
0x3: {  	s1 =	rddreg [dreg:$0x2];
	s2 =	srdreg.scid  }
0x4: {  	s0 =	rddreg [dreg:$0x3];
	s7 =	sand.u32 $0x1, s2  }
0x5: {  	s2 =	stileid.u32;
	s16 =	smul.u32 $0x5000, s7  }
0x6: {  	s3 =	simm.s32 $0x0;
	s21 =	simm.s32 $0x1;
	s6 =	smul.u32 $0x50000, s2  }
0x7: {  	s22 =	simm.s32 $0x0;
	[smem:$0x7FF] =	sst s3;
	s10 =	smul.u32 $0x14000, s2  }
0x8: {  	s4 =	sadd.s32 $0x5C200, s5;
	s14 =	sadd.s32 $0x84200, s5;
	s19 =	smul.u32 $0x140000, s7  }
0x9: {  	_ =	strace $0x8000004D;
	s30 =	ssub.s32 $0x2, s7;
	s31 =	smul.u32 $0x500, s2  }
0xa: {  	s8 =	sshrl.u32 s30, $0x1;
	s17 =	sadd.s32 s16, s5;
	s6 =	sshrl.u32 s6, $0x2  }
0xb: {  	s11 =	sadd.s32 $0x4000, s10;
	s18 =	ssub.s32 s30, s8;
	s12 =	sadd.s32 $0x8000, s10  }
0xc: {  	s13 =	sadd.s32 $0xC000, s10;
	s20 =	sadd.s32 $0x10000, s10;
	s10 =	sadd.s32 s10, s19  }
0xd: {  	s16 =	sadd.s32 s16, s15;
	s5 =	sadd.s32 s6, s1;
	s6 =	sadd.s32 s11, s1  }
0xe: {  	s7 =	sadd.s32 s12, s1;
	s8 =	sadd.s32 s13, s1;
	s9 =	sadd.s32 s20, s1  }
0xf: {  	s11 =	sadd.s32 s19, s11;
	s10 =	sshrl.u32 s10, $0x3;
	s12 =	sadd.s32 s19, s12  }
0x10: {  	s13 =	sadd.s32 s19, s13;
	s19 =	sadd.s32 s19, s20;
	s15 =	smax.u32 s18, $0x1  }
0x11: {  	s16 =	sadd.s32 s31, s16;
	s17 =	sadd.s32 s31, s17;
	s18 =	simm.s32 $0x100  }
0x12: {  	s20 =	simm.s32 $0x80;
	s11 =	sshrl.u32 s11, $0x3;
	s10 =	sadd.s32 s14, s10  }
0x13: {  	s12 =	sshrl.u32 s12, $0x3;
	s13 =	sshrl.u32 s13, $0x3;
	s19 =	sshrl.u32 s19, $0x3  }
0x14: {  	s17 =	sadd.s32 $0x52200, s17;
	s11 =	sadd.s32 s14, s11;
	s12 =	sadd.s32 s14, s12  }
0x15: {  	v0 =	vimm.f32 $0.0e+00;
	s13 =	sadd.s32 s14, s13;
	s14 =	sadd.s32 s14, s19;
	s19 =	simm.s32 $0x2  }
.LBB2_1:
0x16: {  	s23 =	simm.s32 $0x0;
	s24 =	simm.s32 $0x200  }
.LBB2_2:
0x17: {  	p0 =	sne.s32 s24, $0xFE00;
	[tilespmem:s23+$0x170] =	vst v0  }
0x18: {  	[tilespmem:s23+$0x100] =	vst v0  }
0x19: {  	[tilespmem:s23+$0x110] =	vst v0  }
.Ltmp0:
0x1a: {  	[tilespmem:s23+$0x120] =	vst v0;
	(pc) =	sbr.rel @p0 .LBB2_2-.Ltmp0, $4  }
0x1b: {  	[tilespmem:s23+$0x130] =	vst v0  }
0x1c: {  	[tilespmem:s23+$0x140] =	vst v0  }
0x1d: {  	[tilespmem:s23+$0x150] =	vst v0  }
0x1e: {  	[tilespmem:s23+$0x160] =	vst v0;
	s23 =	sshra.s32 s24, $0x2;
	s24 =	sadd.s32 $0x200, s24  }
0x1f: {  	[tilespmem:s23+$0x170] =	vst v0  }
0x20: {  	[tilespmem:s23+$0x100] =	vst v0  }
0x21: {  	[tilespmem:s23+$0x110] =	vst v0  }
0x22: {  	[tilespmem:s23+$0x120] =	vst v0  }
0x23: {  	[tilespmem:s23+$0x130] =	vst v0  }
0x24: {  	[tilespmem:s23+$0x140] =	vst v0  }
0x25: {  	[tilespmem:s23+$0x150] =	vst v0  }
0x26: {  	[tilespmem:s23+$0x160] =	vst v0  }
0x27: {  	[spmem:s5] =	stream.linear.scatter [tilespmem:s18], [sflag:$0x2], $0x4000, $0x38;
	[tilespmem:$0x18100] =	vst v63  }
0x28: {  	_ =	swait.ge [sflag:s19], $0x4000  }
0x29: {  	[sflag:s19] =	ssyncset.done $0x0  }
0x2a: {  	[sflag:s19] =	ssyncadd.s32 $0xFFFFC000  }
0x2b: {  	[spmem:s6] =	stream.linear.scatter [tilespmem:s18], [sflag:$0x2], $0x4000, $0x38;
	[tilespmem:$0x18100] =	vst v63  }
0x2c: {  	_ =	swait.ge [sflag:s19], $0x4000  }
0x2d: {  	[sflag:s19] =	ssyncset.done $0x0  }
0x2e: {  	[sflag:s19] =	ssyncadd.s32 $0xFFFFC000  }
0x2f: {  	[spmem:s7] =	stream.linear.scatter [tilespmem:s18], [sflag:$0x2], $0x4000, $0x38;
	[tilespmem:$0x18100] =	vst v63  }
0x30: {  	_ =	swait.ge [sflag:s19], $0x4000  }
0x31: {  	[sflag:s19] =	ssyncset.done $0x0  }
0x32: {  	[sflag:s19] =	ssyncadd.s32 $0xFFFFC000  }
0x33: {  	[spmem:s8] =	stream.linear.scatter [tilespmem:s18], [sflag:$0x2], $0x4000, $0x38;
	[tilespmem:$0x18100] =	vst v63  }
0x34: {  	_ =	swait.ge [sflag:s19], $0x4000  }
0x35: {  	[sflag:s19] =	ssyncset.done $0x0  }
0x36: {  	[sflag:s19] =	ssyncadd.s32 $0xFFFFC000  }
0x37: {  	[spmem:s9] =	stream.linear.scatter [tilespmem:s18], [sflag:$0x2], $0x4000, $0x38;
	[tilespmem:$0x18100] =	vst v63  }
0x38: {  	_ =	swait.ge [sflag:s19], $0x4000  }
0x39: {  	[sflag:s19] =	ssyncset.done $0x0  }
0x3a: {  	[sflag:s19] =	ssyncadd.s32 $0xFFFFC000  }
0x3b: {  	s30 =	sadd.s32 $0x0, s17;
	[bflag:$0x0] =	sbarrier.arrive $0xFFFF  }
0x3c: {  	[tilespmem:s3], [sflag:$0x2] =	stream.linear.gather [hbm4b:s30+s3], $0x80, $0x38;
	[tilespmem:$0x18100] =	vst v63  }
0x3d: {  	_ =	swait.ge [sflag:s19], $0x80  }
0x3e: {  	[sflag:s19] =	ssyncset.done $0x0  }
0x3f: {  	s31 =	sadd.s32 $0x0, s16;
	[sflag:s19] =	ssyncadd.s32 $0xFFFFFF80  }
0x40: {  	[tilespmem:s20], [sflag:$0x2] =	stream.linear.gather [hbm4b:s31+s3], $0x80, $0x38;
	[tilespmem:$0x18100] =	vst v63  }
0x41: {  	_ =	swait.ge [sflag:s19], $0x80  }
0x42: {  	[sflag:s19] =	ssyncset.done $0x0  }
0x43: {  	[sflag:s19] =	ssyncadd.s32 $0xFFFFFF80  }
0x44: {  	[tilespmem:s18], [sflag:$0x1] =	stream.indirect.gather [hbm4b:s4+s20], $0x80, s3, s20, $0xb8;
	[tilespmem:$0x18100] =	vst v63  }
0x45: {  	_ =	swait.ge [sflag:s21], $0x4000  }
0x46: {  	[sflag:s21] =	ssyncset.done $0x0  }
0x47: {  	[sflag:s21] =	ssyncadd.s32 $0xFFFFC000  }
0x48: {  	[spmem:s1] =	stream.indirect.scatter.add.f32 [tilespmem:s18], [sflag:$0x2], $0x80, s20, s20, $0xb8;
	[tilespmem:$0x18100] =	vst v63  }
0x49: {  	_ =	swait.ge [sflag:s19], $0x4000  }
0x4a: {  	s23 =	simm.s32 $0x10;
	s24 =	simm.s32 $0x20;
	[sflag:s19] =	ssyncset.done $0x0  }
.LBB2_4:
0x4b: {  	s25 =	sadd.s32 s23, s17  }
0x4c: {  	[sflag:s19] =	ssyncadd.s32 $0xFFFFC000;
	s26 =	smov.u32 s24;
	s28 =	sadd.s32 $0x10, s24  }
0x4d: {  	[tilespmem:s3], [sflag:$0x2] =	stream.linear.gather [hbm4b:s25+s3], $0x80, $0x38;
	[tilespmem:$0x18100] =	vst v63  }
0x4e: {  	p0 =	sne.s32 s24, $0x4F0;
	_ =	swait.ge [sflag:s19], $0x80  }
0x4f: {  	[sflag:s19] =	ssyncset.done $0x0  }
0x50: {  	s24 =	sadd.s32 s23, s16;
	s23 =	smov.u32 s26;
	[sflag:s19] =	ssyncadd.s32 $0xFFFFFF80  }
0x51: {  	[tilespmem:s20], [sflag:$0x2] =	stream.linear.gather [hbm4b:s24+s3], $0x80, $0x38;
	[tilespmem:$0x18100] =	vst v63  }
0x52: {  	_ =	swait.ge [sflag:s19], $0x80  }
0x53: {  	[sflag:s19] =	ssyncset.done $0x0  }
0x54: {  	[sflag:s19] =	ssyncadd.s32 $0xFFFFFF80  }
0x55: {  	[tilespmem:s18], [sflag:$0x1] =	stream.indirect.gather [hbm4b:s4+s20], $0x80, s3, s20, $0xb8;
	[tilespmem:$0x18100] =	vst v63  }
0x56: {  	_ =	swait.ge [sflag:s21], $0x4000  }
.Ltmp1:
0x57: {  	[sflag:s21] =	ssyncset.done $0x0;
	(pc) =	sbr.rel @p0 .LBB2_4-.Ltmp1, $4  }
0x58: {  	[sflag:s21] =	ssyncadd.s32 $0xFFFFC000  }
0x59: {  	[spmem:s1] =	stream.indirect.scatter.add.f32 [tilespmem:s18], [sflag:$0x2], $0x80, s20, s20, $0xb8;
	[tilespmem:$0x18100] =	vst v63  }
0x5a: {  	_ =	swait.ge [sflag:s19], $0x4000  }
0x5b: {  	s24 =	smov.u32 s28;
	[sflag:s19] =	ssyncset.done $0x0  }
0x5c: {  	s24 =	sadd.s32 s23, s17;
	[sflag:s19] =	ssyncadd.s32 $0xFFFFC000  }
0x5d: {  	[tilespmem:s3], [sflag:$0x2] =	stream.linear.gather [hbm4b:s24+s3], $0x80, $0x38;
	[tilespmem:$0x18100] =	vst v63  }
0x5e: {  	_ =	swait.ge [sflag:s19], $0x80  }
0x5f: {  	[sflag:s19] =	ssyncset.done $0x0  }
0x60: {  	s24 =	sadd.s32 s23, s16;
	[sflag:s19] =	ssyncadd.s32 $0xFFFFFF80  }
0x61: {  	[tilespmem:s20], [sflag:$0x2] =	stream.linear.gather [hbm4b:s24+s3], $0x80, $0x38;
	[tilespmem:$0x18100] =	vst v63  }
0x62: {  	_ =	swait.ge [sflag:s19], $0x80  }
0x63: {  	[sflag:s19] =	ssyncset.done $0x0  }
0x64: {  	[sflag:s19] =	ssyncadd.s32 $0xFFFFFF80  }
0x65: {  	[tilespmem:s18], [sflag:$0x1] =	stream.indirect.gather [hbm4b:s4+s20], $0x80, s3, s20, $0xb8;
	[tilespmem:$0x18100] =	vst v63  }
0x66: {  	_ =	swait.ge [sflag:s21], $0x4000  }
0x67: {  	[sflag:s21] =	ssyncset.done $0x0  }
0x68: {  	[sflag:s21] =	ssyncadd.s32 $0xFFFFC000  }
0x69: {  	[spmem:s1] =	stream.indirect.scatter.add.f32 [tilespmem:s18], [sflag:$0x2], $0x80, s20, s20, $0xb8;
	[tilespmem:$0x18100] =	vst v63  }
0x6a: {  	_ =	swait.ge [sflag:s19], $0x4000  }
0x6b: {  	[sflag:s19] =	ssyncset.done $0x0  }
0x6c: {  	s25 =	sshll.u32 s2, $0x6;
	[sflag:s19] =	ssyncadd.s32 $0xFFFFC000  }
0x6d: {  	s26 =	sshrl.u32 s5, $0x3;
	s23 =	sor.u32 $0x1C02, s25;
	[bflag:$0x0] =	sbarrier.arrive $0xFFFF  }
0x6e: {  	[hbm:s10], [sflag:s23] =	dma.local [spmem:s26], $0x800  }
0x6f: {  	_ =	swait.ge [sflag:s19], $0x800  }
0x70: {  	[sflag:s19] =	ssyncset.done $0x0  }
0x71: {  	s28 =	sshrl.u32 s6, $0x3;
	[sflag:s19] =	ssyncadd.s32 $0xFFFFF800  }
0x72: {  	[hbm:s11], [sflag:s23] =	dma.local [spmem:s28], $0x800  }
0x73: {  	_ =	swait.ge [sflag:s19], $0x800  }
0x74: {  	[sflag:s19] =	ssyncset.done $0x0  }
0x75: {  	s29 =	sshrl.u32 s7, $0x3;
	[sflag:s19] =	ssyncadd.s32 $0xFFFFF800  }
0x76: {  	[hbm:s12], [sflag:s23] =	dma.local [spmem:s29], $0x800  }
0x77: {  	_ =	swait.ge [sflag:s19], $0x800  }
0x78: {  	[sflag:s19] =	ssyncset.done $0x0  }
0x79: {  	s30 =	sshrl.u32 s8, $0x3;
	[sflag:s19] =	ssyncadd.s32 $0xFFFFF800  }
0x7a: {  	[hbm:s13], [sflag:s23] =	dma.local [spmem:s30], $0x800  }
0x7b: {  	s22 =	sadd.s32 $0x1, s22;
	_ =	swait.ge [sflag:s19], $0x800  }
0x7c: {  	p0 =	sne.s32 s22, s15;
	[sflag:s19] =	ssyncset.done $0x0  }
.Ltmp2:
0x7d: {  	s31 =	sshrl.u32 s9, $0x3;
	[sflag:s19] =	ssyncadd.s32 $0xFFFFF800;
	(pc) =	sbr.rel @p0 .LBB2_1-.Ltmp2, $4  }
0x7e: {  	[hbm:s14], [sflag:s23] =	dma.local [spmem:s31], $0x800  }
0x7f: {  	_ =	swait.ge [sflag:s19], $0x800  }
0x80: {  	[sflag:s19] =	ssyncset.done $0x0  }
0x81: {  	[sflag:s19] =	ssyncadd.s32 $0xFFFFF800  }
0x82: {  	_ =	sfence.sel $0x180000  }
0x83: {  	[bflag:$0x0] =	sbarrier.arrive $0xFFFF  }
0x84: {  	p0 =	sne.s32 s2, $0x0;
	_ =	strace $0x9000004D  }
0x85: {  	s0 =	sadd.s32 @!p0 $0x100000, s0;
	[bflag:$0x2] =	sbarrier.arrive $0xFFFF  }
0x86: {  	[sflag:s0] =	ssyncadd.tile.s32 @!p0 $0x1;
	_ =	shalt  }
.Lfunc_end2:
_tile_overlayer_lowered:
.L_overlay_start_2:
0x87: {  	(tag) =	ssettag $0x2  }
0x88: {  	s0 =	rddreg [dreg:$0x0];
	s2 =	stileid.u32  }
0x89: {  	s1 =	rddreg [dreg:$0x1];
	p0 =	sne.s32 s2, $0x0  }
0x8a: {  	s3 =	rddreg [dreg:$0x2];
	[bflag:$0x3] =	sbarrier.arrive $0xFFFF;
	s2 =	simm.s32 @!p0 $0x1C02  }
0x8b: {  	[timem:s3], [sflag:s2] =	dma.local @!p0 [hbm:s0], s1  }
0x8c: {  	s0 =	simm.s32 @!p0 $0x2  }
0x8d: {  	_ =	swait.ge @!p0 [sflag:s0], s1  }
0x8e: {  	s1 =	ssub.s32 @!p0 $0x0, s1;
	[sflag:s0] =	ssyncset.done @!p0 $0x0  }
0x8f: {  	[sflag:s0] =	ssyncadd.s32 @!p0 s1  }
0x90: {  	[bflag:$0x3] =	sbarrier.arrive $0xFFFF  }
0x91: {  	_ =	shalt  }

// kernel: kernel.8.cloned.1.call-start
scs
__scs_entry_jumppad:
0x0: {  	(pc) =	sbr.rel $0x88, $3  }
0x1: {  	(tag) =	ssettag $0x0;
	lr =	simm.s32 $0x1  }
0x2: {  	[smem:$0x3F9B] =	sst lr;
	_ =	strace $0xD0000000  }
0x3: {  	_ = 	snop  }
0x4: {  	_ = 	snop  }
0x5: {  	_ = 	snop  }
0x6: {  	_ = 	snop  }
0x7: {  	_ = 	snop  }
__scs_overlays_trampoline_lowered:
0x8: {  	[smem:$0x3FAA] =	sst s0  }
0x9: {  	[smem:$0x3FAB] =	sst s1  }
0xa: {  	[smem:$0x3FAC] =	sst s2  }
0xb: {  	[smem:$0x3FAD] =	sst s3  }
0xc: {  	[smem:$0x3FAE] =	sst s4  }
0xd: {  	[smem:$0x3FAF] =	sst s5  }
0xe: {  	[smem:$0x3FB0] =	sst s6  }
0xf: {  	[smem:$0x3FB1] =	sst s7  }
0x10: {  	[smem:$0x3FB2] =	sst s8  }
0x11: {  	[smem:$0x3FB3] =	sst s9;
	s0 =	simm.s32 @!p0 $0x0  }
0x12: {  	s1 =	sld [smem:$0x3F99];
	s0 =	simm.s32 @p0 $0x1  }
0x13: {  	[smem:$0x3FB4] =	sst s0;
	s0 =	simm.s32 @!p1 $0x0  }
0x14: {  	s2 =	sld [smem:$0x3F98];
	s0 =	simm.s32 @p1 $0x1  }
0x15: {  	[smem:$0x3FB5] =	sst s0;
	s0 =	simm.s32 @!p2 $0x0  }
0x16: {  	s3 =	sld [smem:$0x3FDB];
	s0 =	simm.s32 @p2 $0x1  }
0x17: {  	s4 =	simm.s32 $0x1BF5;
	[smem:$0x3FB7] =	sst s0  }
0x18: {  	s0 =	sld [smem:$0x3F9A];
	_ =	swait.ge [sflag:s4], $0x0  }
0x19: {  	s7 =	sld [smem:$0x3F9B]  }
0x1a: {  	s8 =	sadd.s32 $0xFFFFE003, lr  }
0x1b: {  	s9 =	sadd.s32 $0xFFFFFEF7, lr;
	s5 =	simm.s32 $0xFFFFFFFF;
	p2 =	slt.u32 s8, $0xFFFFF086  }
0x1c: {  	p1 =	slt.u32 s9, $0xF7A;
	s5 =	simm.s32 @!p2 $0x0  }
0x1d: {  	s5 =	simm.s32 @p1 $0x1;
	p0 =	seq.s32 s7, s2  }
0x1e: {  	s7 =	smul.u32 @!p0 $0xF7A, s2;
	p2 =	seq.s32 @!p0 s5, $0x0  }
0x1f: {  	s9 =	smul.u32 $0xF7A, s1;
	s8 =	simm.s32 @!p0 $0x1BF5;
	p2 =	por !p2, p0  }
0x20: {  	[sflag:s8] =	ssyncset.s32 @!p0 $0xFFFFF086;
	s6 =	sadd.s32 @!p0 s3, s7;
	s7 =	simm.s32 @!p0 $0x108  }
0x21: {  	s3 =	sadd.s32 s3, s9;
	s6 =	sadd.s32 @!p0 $0x88, s6;
	s7 =	simm.s32 @p2 $0x1082  }
0x22: {  	[simem:s7], [sflag:s8] =	dma.local @!p0 [hbm:s6], $0xF7A  }
0x23: {  	s9 =	sor.u32 $0xD0000000, s2;
	s6 =	simm.s32 $0x108;
	_ =	swait.ge @!p0 [sflag:s8], $0x0  }
0x24: {  	s3 =	sadd.s32 $0x88, s3;
	s6 =	simm.s32 @!p1 $0x1082;
	[sflag:s4] =	ssyncset.s32 $0xFFFFF086  }
0x25: {  	[simem:s6], [sflag:s4] =	dma.local [hbm:s3], $0xF7A  }
0x26: {  	[smem:$0x3F9B] =	sst s1;
	(tag) =	ssettag s2;
	_ =	strace s9  }
0x27: {  	s1 =	sld [smem:$0x3FAB]  }
0x28: {  	s2 =	sld [smem:$0x3FAC]  }
0x29: {  	s4 =	sld [smem:$0x3FAE]  }
0x2a: {  	p0 =	seq.s32 s5, $0x0;
	s5 =	sld [smem:$0x3FAF]  }
0x2b: {  	s6 =	sld [smem:$0x3FB0]  }
0x2c: {  	s7 =	sld [smem:$0x3FB1]  }
0x2d: {  	s3 =	simm.s32 $0x108;
	s8 =	sld [smem:$0x3FB2]  }
0x2e: {  	s3 =	simm.s32 @!p0 $0x1082;
	s9 =	sld [smem:$0x3FB3]  }
0x2f: {  	lr =	sadd.s32 s0, s3;
	s0 =	sld [smem:$0x3FAA]  }
0x30: {  	s3 =	sld [smem:$0x3FAD]  }
0x31: {  	[smem:$0x3FB6] =	sst s10  }
0x32: {  	s10 =	sld [smem:$0x3FB4];
	_ =	sdelay $0x3  }
0x33: {  	p0 =	seq.s32 s10, $0x1;
	s10 =	sld [smem:$0x3FB6];
	_ =	sdelay $0x3  }
0x34: {  	[smem:$0x3FB6] =	sst s10  }
0x35: {  	s10 =	sld [smem:$0x3FB5];
	_ =	sdelay $0x3  }
0x36: {  	p1 =	seq.s32 s10, $0x1;
	s10 =	sld [smem:$0x3FB6];
	_ =	sdelay $0x3  }
0x37: {  	[smem:$0x3FB6] =	sst s10  }
0x38: {  	s10 =	sld [smem:$0x3FB7]  }
0x39: {  	_ = 	snop;
	(pc) =	sbr.ind lr, $3  }
0x3a: {  	_ = 	snop  }
0x3b: {  	_ = 	snop  }
0x3c: {  	p2 =	seq.s32 s10, $0x1;
	s10 =	sld [smem:$0x3FB6]  }
0x3d: {  	_ =	shalt  }
0x3e: {  	_ =	shalt  }
0x3f: {  	_ =	shalt  }
0x40: {  	_ =	shalt  }
0x41: {  	_ =	shalt  }
0x42: {  	_ =	shalt  }
0x43: {  	_ =	shalt  }
0x44: {  	_ =	shalt  }
0x45: {  	_ =	shalt  }
0x46: {  	_ =	shalt  }
0x47: {  	_ =	shalt  }
0x48: {  	_ =	shalt  }
0x49: {  	_ =	shalt  }
0x4a: {  	_ =	shalt  }
0x4b: {  	_ =	shalt  }
0x4c: {  	_ =	shalt  }
0x4d: {  	_ =	shalt  }
0x4e: {  	_ =	shalt  }
0x4f: {  	_ =	shalt  }
0x50: {  	_ =	shalt  }
0x51: {  	_ =	shalt  }
0x52: {  	_ =	shalt  }
0x53: {  	_ =	shalt  }
0x54: {  	_ =	shalt  }
0x55: {  	_ =	shalt  }
0x56: {  	_ =	shalt  }
0x57: {  	_ =	shalt  }
0x58: {  	_ =	shalt  }
0x59: {  	_ =	shalt  }
0x5a: {  	_ =	shalt  }
0x5b: {  	_ =	shalt  }
0x5c: {  	_ =	shalt  }
0x5d: {  	_ =	shalt  }
0x5e: {  	_ =	shalt  }
0x5f: {  	_ =	shalt  }
0x60: {  	_ =	shalt  }
0x61: {  	_ =	shalt  }
0x62: {  	_ =	shalt  }
0x63: {  	_ =	shalt  }
0x64: {  	_ =	shalt  }
0x65: {  	_ =	shalt  }
0x66: {  	_ =	shalt  }
0x67: {  	_ =	shalt  }
0x68: {  	_ =	shalt  }
0x69: {  	_ =	shalt  }
0x6a: {  	_ =	shalt  }
0x6b: {  	_ =	shalt  }
0x6c: {  	_ =	shalt  }
0x6d: {  	_ =	shalt  }
0x6e: {  	_ =	shalt  }
0x6f: {  	_ =	shalt  }
0x70: {  	_ =	shalt  }
0x71: {  	_ =	shalt  }
0x72: {  	_ =	shalt  }
0x73: {  	_ =	shalt  }
0x74: {  	_ =	shalt  }
0x75: {  	_ =	shalt  }
0x76: {  	_ =	shalt  }
0x77: {  	_ =	shalt  }
0x78: {  	_ =	shalt  }
0x79: {  	_ =	shalt  }
0x7a: {  	_ =	shalt  }
0x7b: {  	_ =	shalt  }
0x7c: {  	_ =	shalt  }
0x7d: {  	_ =	shalt  }
0x7e: {  	_ =	shalt  }
0x7f: {  	_ =	shalt  }
0x80: {  	_ =	shalt  }
0x81: {  	_ =	shalt  }
0x82: {  	_ =	shalt  }
0x83: {  	_ =	shalt  }
0x84: {  	_ =	shalt  }
0x85: {  	_ =	shalt  }
0x86: {  	_ =	shalt  }
0x87: {  	_ =	shalt  }
.Lfunc_end0:
.L_simem_size_0:
called_computation_lowered:
.L_overlay_start_0:
0x88: {  	s2 =	sld [smem:$0x3FD9]  }
0x89: {  	s3 =	sld [smem:$0x3FFE];
	_ =	sdelay $0x1  }
0x8a: {  	s1 =	srdreg.scid  }
0x8b: {  	s0 =	sand.u32 $0x1, s1  }
0x8c: {  	s17 =	sshll.u32 s0, $0xA;
	s2 =	sadd.s32 s3, s2  }
0x8d: {  	s2 =	sadd.s32 s2, s17  }
0x8e: {  	[smem:$0x3FC2] =	sst s2  }
0x8f: {  	_ = 	snop  }
0x90: {  	s2 =	sld [smem:$0x3FD0];
	(tm) =	ssettm $0x1  }
0x91: {  	s18 =	sld [smem:$0x3FFB];
	_ =	sdelay $0x3  }
0x92: {  	_ =	strace s18  }
0x93: {  	s3 =	sld [smem:$0x3FFC];
	_ =	sdelay $0x3  }
0x94: {  	_ =	strace s3  }
0x95: {  	s3 =	sld [smem:$0x3FFD];
	_ =	sdelay $0x3  }
0x96: {  	_ =	strace s3  }
0x97: {  	_ =	strace $0x8FFFFFFF  }
0x98: {  	s19 =	sld [smem:$0x3FDB];
	_ =	sdelay $0x1  }
0x99: {  	s4 =	simm.s32 $_scs_section_size  }
0x9a: {  	s5 =	simm.s32 $_size__tile_overlayer_lowered;
	s6 =	simm.s32 $_tile_overlayer_lowered  }
0x9b: {  	s22 =	simm.s32 $0x1BFF;
	s21 =	sshll.u32 s6, $0x1;
	s3 =	sadd.s32 s4, s19  }
0x9c: {  	s7 =	simm.s32 $0x0;
	s20 =	sshll.u32 s5, $0x1;
	s5 =	sadd.s32 s21, s3  }
0x9d: {  	[timem:s7], [sflag:s22] =	dma.local [hbm:s5], s20  }
0x9e: {  	_ =	swait.ge [sflag:s22], s20  }
0x9f: {  	s4 =	ssub.s32 $0x0, s20;
	[sflag:s22] =	ssyncset.done $0x0  }
0xa0: {  	[sflag:s22] =	ssyncadd.s32 s4;
	_ =	sdelay $0x1  }
0xa1: {  	s23 =	simm.s32 $0x1B8B  }
0xa2: {  	_ =	swait.ge [sflag:s23], $0x1  }
0xa3: {  	[sflag:s23] =	ssyncset.done $0x0  }
0xa4: {  	s25 =	simm.s32 $0x1B8E;
	s24 =	sld [smem:$0x3FFE];
	[sflag:s23] =	ssyncadd.s32 $0xFFFFFFFF  }
0xa5: {  	s26 =	simm.s32 $execute0_lowered;
	[smem:$0x3FD2] =	sst s25  }
0xa6: {  	s5 =	sshll.u32 s26, $0x1;
	_ =	strace $0x80000046;
	[dreg:$0x1] =	wrdreg $0xFFFFFFFF  }
0xa7: {  	s28 =	simm.s32 $_size_execute0_lowered;
	s3 =	sadd.s32 s3, s5;
	[dreg:$0x0] =	wrdreg $0x0  }
0xa8: {  	s5 =	sshll.u32 s28, $0x1;
	[dreg:$0x2] =	wrdreg s3  }
0xa9: {  	[dreg:$0x3] =	wrdreg s5  }
0xaa: {  	[dreg:$0x4] =	wrdreg $0xC0  }
0xab: {  	_ =	task [dreg:s7], $0x5FFFF  }
0xac: {  	[dreg:$0x1] =	wrdreg $0xFFFFFFFF  }
0xad: {  	[dreg:$0x0] =	wrdreg $0x60  }
0xae: {  	[dreg:$0x2] =	wrdreg s2  }
0xaf: {  	[dreg:$0x3] =	wrdreg s24  }
0xb0: {  	[dreg:$0x4] =	wrdreg $0x80800  }
0xb1: {  	[dreg:$0x5] =	wrdreg $0x9  }
0xb2: {  	_ =	task.clear_ibuf [dreg:s7], $0x6FFFF;
	_ =	strace $0x90000046  }
0xb3: {  	s29 =	simm.s32 $0x9;
	_ =	strace $0x80000048  }
0xb4: {  	_ =	swait.ge [sflag:s29], $0x1  }
0xb5: {  	[sflag:s29] =	ssyncadd.s32 $0xFFFFFFFF  }
0xb6: {  	_ =	strace $0x90000048  }
0xb7: {  	_ =	sfence  }
0xb8: {  	s30 =	sld [smem:$0x0];
	_ =	sdelay $0x2  }
0xb9: {  	s31 =	sshll.u32 s1, $0xD;
	s1 =	sshrl.u32 s1, $0x2  }
0xba: {  	s3 =	sand.u32 $0x4000, s31;
	s1 =	sadd.s32 s1, s30  }
0xbb: {  	s0 =	sor.u32 s3, s0;
	s1 =	sshll.u32 s1, $0x11  }
0xbc: {  	s0 =	sor.u32 s1, s0  }
0xbd: {  	s0 =	sadd.s32 $0x8F2B, s0  }
0xbe: {  	[sflag:s0] =	ssyncadd.remote.s32 $0x1  }
0xbf: {  	_ =	sfence.sel $0xFFFF  }
0xc0: {  	[dreg:$0x0] =	wrdreg $0xFFFFFFFF;
	(pc) =	sbr.abs _section_cstart, $3  }
0xc1: {  	[dreg:$0x1] =	wrdreg $0xFFFFFFFF  }
0xc2: {  	_ =	task.clear_ibuf [dreg:s7], $0x2FFFF;
	_ =	strace $0x9FFFFFFF  }
0xc3: {  	(tm) =	ssettm $0x7FFFFFFF  }
tec
execute0_lowered:
.L_overlay_start_1:
0x0: {  	(tag) =	ssettag $0x1  }
0x1: {  	s14 =	rddreg [dreg:$0x0]  }
0x2: {  	s4 =	rddreg [dreg:$0x1]  }
0x3: {  	s2 =	rddreg [dreg:$0x2];
	s1 =	stileid.u32  }
0x4: {  	s0 =	rddreg [dreg:$0x3];
	s23 =	smul.u32 $0x50000, s1  }
0x5: {  	s5 =	srdreg.scid;
	s3 =	simm.s32 $0x0;
	s9 =	smul.u32 $0x14000, s1  }
0x6: {  	s19 =	simm.s32 $0x0;
	s12 =	sand.u32 $0x1, s5;
	s30 =	smul.u32 $0x500, s1  }
0x7: {  	[smem:$0x7FF] =	sst s3;
	s13 =	sadd.s32 $0x2200, s4;
	s18 =	smul.u32 $0x140000, s12  }
0x8: {  	s6 =	ssub.s32 $0x2, s12;
	_ =	strace $0x80000047;
	s26 =	smul.u32 $0x5000, s12  }
0x9: {  	s24 =	sshrl.u32 s6, $0x1;
	s25 =	sshrl.u32 s23, $0x2;
	s10 =	sadd.s32 $0x4000, s9  }
0xa: {  	s11 =	sadd.s32 $0x8000, s9;
	s16 =	sadd.s32 $0xC000, s9;
	s17 =	sadd.s32 $0x10000, s9  }
0xb: {  	s15 =	ssub.s32 s6, s24;
	s4 =	sadd.s32 s25, s2;
	s5 =	sadd.s32 s10, s2  }
0xc: {  	s6 =	sadd.s32 s11, s2;
	s7 =	sadd.s32 s16, s2;
	s8 =	sadd.s32 s17, s2  }
0xd: {  	s9 =	sadd.s32 s9, s18;
	s10 =	sadd.s32 s18, s10;
	s11 =	sadd.s32 s18, s11  }
0xe: {  	s16 =	sadd.s32 s18, s16;
	s17 =	sadd.s32 s18, s17;
	s31 =	sadd.s32 s26, s14  }
0xf: {  	s18 =	simm.s32 $0x80;
	s9 =	sshrl.u32 s9, $0x3;
	s10 =	sshrl.u32 s10, $0x3  }
0x10: {  	s11 =	sshrl.u32 s11, $0x3;
	s28 =	sshrl.u32 s16, $0x3;
	s29 =	sshrl.u32 s17, $0x3  }
0x11: {  	s14 =	smax.u32 s15, $0x1;
	s15 =	sadd.s32 s30, s31;
	s16 =	simm.s32 $0x4080  }
0x12: {  	s17 =	simm.s32 $0x1;
	s9 =	sadd.s32 s13, s9;
	s10 =	sadd.s32 s13, s10  }
0x13: {  	v0 =	vimm.f32 $1.000000000e+00;
	v1 =	vimm.f32 $0.0e+00;
	s11 =	sadd.s32 s13, s11;
	s12 =	sadd.s32 s13, s28;
	s13 =	sadd.s32 s13, s29  }
.LBB2_1:
0x14: {  	s20 =	simm.s32 $0x200;
	s21 =	simm.s32 $0x0  }
.LBB2_2:
0x15: {  	p0 =	sne.s32 s20, $0xFE00;
	[tilespmem:s21+$0x80] =	vst v0;
	s22 =	smov.u32 s20;
	s20 =	sadd.s32 $0x200, s20  }
.Ltmp0:
0x16: {  	[tilespmem:s21+$0x4080] =	vst v1;
	(pc) =	sbr.rel @p0 .LBB2_2-.Ltmp0, $2  }
0x17: {  	_ =	sdelay $0x2  }
0x18: {  	s21 =	sshra.s32 s22, $0x2  }
0x19: {  	[tilespmem:s21+$0x80] =	vst v0  }
0x1a: {  	[tilespmem:s21+$0x4080] =	vst v1  }
0x1b: {  	[spmem:s4] =	stream.linear.scatter [tilespmem:s16], [sflag:$0x1], $0x4000, $0x38;
	[tilespmem:$0xA880] =	vst v63  }
0x1c: {  	_ =	swait.ge [sflag:s17], $0x4000  }
0x1d: {  	[sflag:s17] =	ssyncset.done $0x0  }
0x1e: {  	[sflag:s17] =	ssyncadd.s32 $0xFFFFC000  }
0x1f: {  	[spmem:s5] =	stream.linear.scatter [tilespmem:s16], [sflag:$0x1], $0x4000, $0x38;
	[tilespmem:$0xA880] =	vst v63  }
0x20: {  	_ =	swait.ge [sflag:s17], $0x4000  }
0x21: {  	[sflag:s17] =	ssyncset.done $0x0  }
0x22: {  	[sflag:s17] =	ssyncadd.s32 $0xFFFFC000  }
0x23: {  	[spmem:s6] =	stream.linear.scatter [tilespmem:s16], [sflag:$0x1], $0x4000, $0x38;
	[tilespmem:$0xA880] =	vst v63  }
0x24: {  	_ =	swait.ge [sflag:s17], $0x4000  }
0x25: {  	[sflag:s17] =	ssyncset.done $0x0  }
0x26: {  	[sflag:s17] =	ssyncadd.s32 $0xFFFFC000  }
0x27: {  	[spmem:s7] =	stream.linear.scatter [tilespmem:s16], [sflag:$0x1], $0x4000, $0x38;
	[tilespmem:$0xA880] =	vst v63  }
0x28: {  	_ =	swait.ge [sflag:s17], $0x4000  }
0x29: {  	[sflag:s17] =	ssyncset.done $0x0  }
0x2a: {  	[sflag:s17] =	ssyncadd.s32 $0xFFFFC000  }
0x2b: {  	[spmem:s8] =	stream.linear.scatter [tilespmem:s16], [sflag:$0x1], $0x4000, $0x38;
	[tilespmem:$0xA880] =	vst v63  }
0x2c: {  	_ =	swait.ge [sflag:s17], $0x4000  }
0x2d: {  	[sflag:s17] =	ssyncset.done $0x0  }
0x2e: {  	[sflag:s17] =	ssyncadd.s32 $0xFFFFC000  }
0x2f: {  	s20 =	sadd.s32 $0x0, s15;
	[bflag:$0x0] =	sbarrier.arrive $0xFFFF  }
0x30: {  	[tilespmem:s3], [sflag:$0x1] =	stream.linear.gather [hbm4b:s20+s3], $0x80, $0x38;
	[tilespmem:$0xA880] =	vst v63  }
0x31: {  	_ =	swait.ge [sflag:s17], $0x80  }
0x32: {  	[sflag:s17] =	ssyncset.done $0x0  }
0x33: {  	[sflag:s17] =	ssyncadd.s32 $0xFFFFFF80  }
0x34: {  	[spmem:s2] =	stream.indirect.scatter.add.f32 [tilespmem:s18], [sflag:$0x1], $0x10, s3, s18, $0xb8;
	[tilespmem:$0xA880] =	vst v63  }
0x35: {  	_ =	swait.ge [sflag:s17], $0x800  }
0x36: {  	s21 =	simm.s32 $0x20;
	s20 =	simm.s32 $0x10;
	[sflag:s17] =	ssyncset.done $0x0  }
.LBB2_4:
0x37: {  	s22 =	sadd.s32 s20, s15  }
0x38: {  	[sflag:s17] =	ssyncadd.s32 $0xFFFFF800;
	s20 =	smov.u32 s21;
	s23 =	sadd.s32 $0x10, s21  }
0x39: {  	[tilespmem:s3], [sflag:$0x1] =	stream.linear.gather [hbm4b:s22+s3], $0x80, $0x38;
	[tilespmem:$0xA880] =	vst v63  }
0x3a: {  	p0 =	sne.s32 s21, $0x4F0;
	_ =	swait.ge [sflag:s17], $0x80  }
.Ltmp1:
0x3b: {  	[sflag:s17] =	ssyncset.done $0x0;
	(pc) =	sbr.rel @p0 .LBB2_4-.Ltmp1, $4  }
0x3c: {  	[sflag:s17] =	ssyncadd.s32 $0xFFFFFF80  }
0x3d: {  	[spmem:s2] =	stream.indirect.scatter.add.f32 [tilespmem:s18], [sflag:$0x1], $0x10, s3, s18, $0xb8;
	[tilespmem:$0xA880] =	vst v63  }
0x3e: {  	_ =	swait.ge [sflag:s17], $0x800  }
0x3f: {  	s21 =	smov.u32 s23;
	[sflag:s17] =	ssyncset.done $0x0  }
0x40: {  	s20 =	sadd.s32 s20, s15;
	[sflag:s17] =	ssyncadd.s32 $0xFFFFF800  }
0x41: {  	[tilespmem:s3], [sflag:$0x1] =	stream.linear.gather [hbm4b:s20+s3], $0x80, $0x38;
	[tilespmem:$0xA880] =	vst v63  }
0x42: {  	_ =	swait.ge [sflag:s17], $0x80  }
0x43: {  	[sflag:s17] =	ssyncset.done $0x0  }
0x44: {  	[sflag:s17] =	ssyncadd.s32 $0xFFFFFF80  }
0x45: {  	[spmem:s2] =	stream.indirect.scatter.add.f32 [tilespmem:s18], [sflag:$0x1], $0x10, s3, s18, $0xb8;
	[tilespmem:$0xA880] =	vst v63  }
0x46: {  	_ =	swait.ge [sflag:s17], $0x800  }
0x47: {  	[sflag:s17] =	ssyncset.done $0x0  }
0x48: {  	s26 =	sshll.u32 s1, $0x6;
	[sflag:s17] =	ssyncadd.s32 $0xFFFFF800  }
0x49: {  	s21 =	sshrl.u32 s4, $0x3;
	s20 =	sor.u32 $0x1C01, s26;
	[bflag:$0x0] =	sbarrier.arrive $0xFFFF  }
0x4a: {  	[hbm:s9], [sflag:s20] =	dma.local [spmem:s21], $0x800  }
0x4b: {  	_ =	swait.ge [sflag:s17], $0x800  }
0x4c: {  	[sflag:s17] =	ssyncset.done $0x0  }
0x4d: {  	s28 =	sshrl.u32 s5, $0x3;
	[sflag:s17] =	ssyncadd.s32 $0xFFFFF800  }
0x4e: {  	[hbm:s10], [sflag:s20] =	dma.local [spmem:s28], $0x800  }
0x4f: {  	_ =	swait.ge [sflag:s17], $0x800  }
0x50: {  	[sflag:s17] =	ssyncset.done $0x0  }
0x51: {  	s29 =	sshrl.u32 s6, $0x3;
	[sflag:s17] =	ssyncadd.s32 $0xFFFFF800  }
0x52: {  	[hbm:s11], [sflag:s20] =	dma.local [spmem:s29], $0x800  }
0x53: {  	_ =	swait.ge [sflag:s17], $0x800  }
0x54: {  	[sflag:s17] =	ssyncset.done $0x0  }
0x55: {  	s30 =	sshrl.u32 s7, $0x3;
	[sflag:s17] =	ssyncadd.s32 $0xFFFFF800  }
0x56: {  	[hbm:s12], [sflag:s20] =	dma.local [spmem:s30], $0x800  }
0x57: {  	s19 =	sadd.s32 $0x1, s19;
	_ =	swait.ge [sflag:s17], $0x800  }
0x58: {  	p0 =	sne.s32 s19, s14;
	[sflag:s17] =	ssyncset.done $0x0  }
.Ltmp2:
0x59: {  	s31 =	sshrl.u32 s8, $0x3;
	[sflag:s17] =	ssyncadd.s32 $0xFFFFF800;
	(pc) =	sbr.rel @p0 .LBB2_1-.Ltmp2, $4  }
0x5a: {  	[hbm:s13], [sflag:s20] =	dma.local [spmem:s31], $0x800  }
0x5b: {  	_ =	swait.ge [sflag:s17], $0x800  }
0x5c: {  	[sflag:s17] =	ssyncset.done $0x0  }
0x5d: {  	[sflag:s17] =	ssyncadd.s32 $0xFFFFF800  }
0x5e: {  	_ =	sfence.sel $0x180000  }
0x5f: {  	[bflag:$0x0] =	sbarrier.arrive $0xFFFF  }
0x60: {  	p0 =	sne.s32 s1, $0x0;
	_ =	strace $0x90000047  }
0x61: {  	s0 =	sadd.s32 @!p0 $0x100000, s0;
	[bflag:$0x2] =	sbarrier.arrive $0xFFFF  }
0x62: {  	[sflag:s0] =	ssyncadd.tile.s32 @!p0 $0x1;
	_ =	shalt  }
.Lfunc_end2:
_tile_overlayer_lowered:
.L_overlay_start_2:
0x63: {  	(tag) =	ssettag $0x2  }
0x64: {  	s0 =	rddreg [dreg:$0x0];
	s2 =	stileid.u32  }
0x65: {  	s1 =	rddreg [dreg:$0x1];
	p0 =	sne.s32 s2, $0x0  }
0x66: {  	s3 =	rddreg [dreg:$0x2];
	[bflag:$0x3] =	sbarrier.arrive $0xFFFF;
	s2 =	simm.s32 @!p0 $0x1C01  }
0x67: {  	[timem:s3], [sflag:s2] =	dma.local @!p0 [hbm:s0], s1  }
0x68: {  	s0 =	simm.s32 @!p0 $0x1  }
0x69: {  	_ =	swait.ge @!p0 [sflag:s0], s1  }
0x6a: {  	s1 =	ssub.s32 @!p0 $0x0, s1;
	[sflag:s0] =	ssyncset.done @!p0 $0x0  }
0x6b: {  	[sflag:s0] =	ssyncadd.s32 @!p0 s1  }
0x6c: {  	[bflag:$0x3] =	sbarrier.arrive $0xFFFF  }
0x6d: {  	_ =	shalt  }

</sc_bundles>
